<compile_context>
chip_gen: v7x
topology: tpu7x:2x2x1
jax: 0.10.2.dev20260603
libtpu: 0.0.44.dev20260713+nightly
codegen_flags: <defaults>
</compile_context>

<pallas_src>
import functools

import jax
import jax.numpy as jnp
from jax import lax
from jax.experimental import pallas as pl
from jax.experimental.pallas import tpu as pltpu
from jax.experimental.pallas import tpu_sc as plsc

VOCAB = 1000000
D_MODEL = 32

NC = 2
NS = 16
NW = NC * NS

CHUNK = 1600
NBUF = 2


def _make_lookup(B):
    assert B % (NW * CHUNK) == 0
    b_per_w = B // NW
    n_chunks = b_per_w // CHUNK
    assert n_chunks % NBUF == 0 and n_chunks >= 2 * NBUF
    n_groups = n_chunks // NBUF
    mesh = plsc.VectorSubcoreMesh(core_axis_name="c", subcore_axis_name="s")

    @functools.partial(
        pl.kernel,
        mesh=mesh,
        compiler_params=pltpu.CompilerParams(use_tc_tiling_on_sc=False),
        out_type=jax.ShapeDtypeStruct((B, D_MODEL), jnp.float32),
        scratch_types=[
            pltpu.VMEM((NBUF, CHUNK), jnp.int32),
            pltpu.VMEM((NBUF, CHUNK, D_MODEL), jnp.float32),
        ] + [pltpu.SemaphoreType.DMA] * (3 * NBUF),
    )
    def lookup(x_hbm, table_hbm, out_hbm, idx_v, rows_v, *sems):
        si = sems[0:NBUF]
        sg = sems[NBUF:2 * NBUF]
        sw = sems[2 * NBUF:3 * NBUF]
        wid = lax.axis_index("s") * NC + lax.axis_index("c")
        w_base = wid * b_per_w

        def start_idx(g, b):
            pltpu.async_copy(
                x_hbm.at[pl.ds(w_base + g * CHUNK, CHUNK)], idx_v.at[b], si[b])

        def wait_idx(b):
            pltpu.make_async_copy(
                x_hbm.at[pl.ds(0, CHUNK)], idx_v.at[b], si[b]).wait()

        def start_gather(b):
            pltpu.async_copy(table_hbm.at[idx_v.at[b]], rows_v.at[b], sg[b])

        def wait_gather(b):
            pltpu.make_async_copy(
                table_hbm.at[idx_v.at[b]], rows_v.at[b], sg[b]).wait()

        def start_wb(g, b):
            pltpu.async_copy(
                rows_v.at[b], out_hbm.at[pl.ds(w_base + g * CHUNK, CHUNK)], sw[b])

        def wait_wb(b):
            pltpu.make_async_copy(
                rows_v.at[b], out_hbm.at[pl.ds(0, CHUNK)], sw[b]).wait()

        for b in range(NBUF):
            start_idx(b, b)
        for b in range(NBUF):
            wait_idx(b)
            start_gather(b)
        for b in range(NBUF):
            wait_gather(b)
            start_wb(b, b)
            start_idx(b + NBUF, b)

        @pl.loop(1, n_groups)
        def _group(h):
            base = h * NBUF
            for b in range(NBUF):
                wait_idx(b)
                wait_wb(b)
                start_gather(b)
            for b in range(NBUF):
                wait_gather(b)
                start_wb(base + b, b)
                g_pref = jnp.minimum(base + NBUF + b, n_chunks - 1)
                start_idx(g_pref, b)

        for b in range(NBUF):
            wait_idx(b)
            wait_wb(b)

    return lookup


def kernel(x, table):
    B = x.shape[0] * x.shape[1]
    flat = x.reshape(B)
    out = _make_lookup(B)(flat, table)
    return out.reshape(x.shape[0], x.shape[1], D_MODEL)

# --- scband reference (transcript-rebuilt; emitter-appended) ---
"""Pipeline reference for scband-embedding-table-30958124269683 (READ-ONLY COPY).

The authoritative reference and input builder live on the scoring server;
editing this copy changes nothing except your own understanding.
"""

import jax, jax.numpy as jnp
import numpy as np

VOCAB = 1000000
D_MODEL = 32
UNK_IDX = 0


def setup_inputs(seed: int = 0) -> dict:
    key = jax.random.key(seed)
    k1, k2 = jax.random.split(key)
    x = jax.random.randint(k1, (16384, 200), 0, VOCAB, dtype=jnp.int64 if jax.config.jax_enable_x64 else jnp.int32)
    table = jax.random.normal(k2, (VOCAB, D_MODEL), dtype=jnp.float32)
    return {"x": x, "table": table}


def reference(x, table):
    # Replicate: invalid indices (out of range) are remapped to unk_idx=0
    invalid_mask = (x < 0) | (x >= table.shape[0])
    x_safe = jnp.where(invalid_mask, UNK_IDX, x)
    emb = jnp.take(table, x_safe, axis=0)
    return emb

if __name__ == "__main__":
    import jax
    _d = setup_inputs()
    print(jax.jit(kernel)(*tuple(_d.values())))

</pallas_src>

<mosaic_0001>
#map = affine_map<(d0, d1) -> (0)>
#map1 = affine_map<(d0, d1) -> (0, 0)>
module attributes {stable_mosaic.version = 14 : i64} {
  func.func @lookup(%arg0: i32, %arg1: i32, %arg2: memref<3276800xi32, #tpu.memory_space<hbm>>, %arg3: memref<1000000x32xf32, #tpu.memory_space<hbm>>, %arg4: memref<3276800x32xf32, #tpu.memory_space<hbm>>, %arg5: memref<2x1600xi32, #tpu.memory_space<vmem>>, %arg6: memref<2x1600x32xf32, #tpu.memory_space<vmem>>, %arg7: memref<!tpu.dma_semaphore, #tpu.memory_space<semaphore_mem>>, %arg8: memref<!tpu.dma_semaphore, #tpu.memory_space<semaphore_mem>>, %arg9: memref<!tpu.dma_semaphore, #tpu.memory_space<semaphore_mem>>, %arg10: memref<!tpu.dma_semaphore, #tpu.memory_space<semaphore_mem>>, %arg11: memref<!tpu.dma_semaphore, #tpu.memory_space<semaphore_mem>>, %arg12: memref<!tpu.dma_semaphore, #tpu.memory_space<semaphore_mem>>) attributes {dimension_semantics = [#tpu.dimension_semantics<core_parallel>, #tpu.dimension_semantics<subcore_parallel>], iteration_bounds = array<i64: 2, 16>, scalar_prefetch = 0 : i64, scratch_operands = 8 : i64, tpu.core_type = #tpu.core_type<sc_vector_subcore>, window_params = [{transform_indices = #map}, {transform_indices = #map1}, {transform_indices = #map1}]} {
    %mul3A = arith.constant 2 : i32
    %mul3A_0 = arith.muli %arg1, %mul3A : i32
    %add3A = arith.addi %mul3A_0, %arg0 : i32
    %mul3A_1 = arith.constant 102400 : i32
    %mul3A_2 = arith.muli %add3A, %mul3A_1 : i32
    %add3A_3 = arith.constant 0 : i32
    %add3A_4 = arith.addi %mul3A_2, %add3A_3 : i32
    %dma_start3A = arith.constant 0 : i32
    %dma_start3A_5 = arith.constant 0 : i32
    %dma_start3A_6 = tpu.memref_slice %arg5[%dma_start3A, %dma_start3A_5] : memref<2x1600xi32, #tpu.memory_space<vmem>> -> memref<1x1600xi32, #tpu.memory_space<vmem>>
    %dma_start3A_7 = tpu.memref_squeeze %dma_start3A_6 : memref<1x1600xi32, #tpu.memory_space<vmem>> -> memref<1600xi32, #tpu.memory_space<vmem>>
    %dma_start3A_8 = tpu.memref_slice %arg2[%add3A_4] : memref<3276800xi32, #tpu.memory_space<hbm>> -> memref<1600xi32, #tpu.memory_space<hbm>>
    %dma_start3A_9 = arith.constant 0 : i32
    %dma_start3A_10 = tpu.memref_slice %arg5[%dma_start3A, %dma_start3A_9] : memref<2x1600xi32, #tpu.memory_space<vmem>> -> memref<1x1600xi32, #tpu.memory_space<vmem>>
    %dma_start3A_11 = tpu.memref_squeeze %dma_start3A_10 : memref<1x1600xi32, #tpu.memory_space<vmem>> -> memref<1600xi32, #tpu.memory_space<vmem>>
    %dma_start3A_12 = tpu.memref_slice %arg2[%add3A_4] : memref<3276800xi32, #tpu.memory_space<hbm>> -> memref<1600xi32, #tpu.memory_space<hbm>>
    tpu.enqueue_dma source(%dma_start3A_12 : memref<1600xi32, #tpu.memory_space<hbm>>) target(%dma_start3A_11 : memref<1600xi32, #tpu.memory_space<vmem>>) target_semaphore(%arg7 : memref<!tpu.dma_semaphore, #tpu.memory_space<semaphore_mem>>)
    %add3A_13 = arith.constant 1600 : i32
    %add3A_14 = arith.addi %mul3A_2, %add3A_13 : i32
    %dma_start3A_15 = arith.constant 1 : i32
    %dma_start3A_16 = arith.constant 0 : i32
    %dma_start3A_17 = tpu.memref_slice %arg5[%dma_start3A_15, %dma_start3A_16] : memref<2x1600xi32, #tpu.memory_space<vmem>> -> memref<1x1600xi32, #tpu.memory_space<vmem>>
    %dma_start3A_18 = tpu.memref_squeeze %dma_start3A_17 : memref<1x1600xi32, #tpu.memory_space<vmem>> -> memref<1600xi32, #tpu.memory_space<vmem>>
    %dma_start3A_19 = tpu.memref_slice %arg2[%add3A_14] : memref<3276800xi32, #tpu.memory_space<hbm>> -> memref<1600xi32, #tpu.memory_space<hbm>>
    %dma_start3A_20 = arith.constant 0 : i32
    %dma_start3A_21 = tpu.memref_slice %arg5[%dma_start3A_15, %dma_start3A_20] : memref<2x1600xi32, #tpu.memory_space<vmem>> -> memref<1x1600xi32, #tpu.memory_space<vmem>>
    %dma_start3A_22 = tpu.memref_squeeze %dma_start3A_21 : memref<1x1600xi32, #tpu.memory_space<vmem>> -> memref<1600xi32, #tpu.memory_space<vmem>>
    %dma_start3A_23 = tpu.memref_slice %arg2[%add3A_14] : memref<3276800xi32, #tpu.memory_space<hbm>> -> memref<1600xi32, #tpu.memory_space<hbm>>
    tpu.enqueue_dma source(%dma_start3A_23 : memref<1600xi32, #tpu.memory_space<hbm>>) target(%dma_start3A_22 : memref<1600xi32, #tpu.memory_space<vmem>>) target_semaphore(%arg8 : memref<!tpu.dma_semaphore, #tpu.memory_space<semaphore_mem>>)
    %dma_wait3A = arith.constant 0 : i32
    %dma_wait3A_24 = arith.constant 0 : i32
    %dma_wait3A_25 = tpu.memref_slice %arg5[%dma_wait3A, %dma_wait3A_24] : memref<2x1600xi32, #tpu.memory_space<vmem>> -> memref<1x1600xi32, #tpu.memory_space<vmem>>
    %dma_wait3A_26 = tpu.memref_squeeze %dma_wait3A_25 : memref<1x1600xi32, #tpu.memory_space<vmem>> -> memref<1600xi32, #tpu.memory_space<vmem>>
    %dma_wait3A_27 = arith.constant 0 : i32
    %dma_wait3A_28 = tpu.memref_slice %arg2[%dma_wait3A_27] : memref<3276800xi32, #tpu.memory_space<hbm>> -> memref<1600xi32, #tpu.memory_space<hbm>>
    %dma_wait3A_29 = arith.constant 0 : i32
    %dma_wait3A_30 = tpu.memref_slice %arg5[%dma_wait3A, %dma_wait3A_29] : memref<2x1600xi32, #tpu.memory_space<vmem>> -> memref<1x1600xi32, #tpu.memory_space<vmem>>
    %dma_wait3A_31 = tpu.memref_squeeze %dma_wait3A_30 : memref<1x1600xi32, #tpu.memory_space<vmem>> -> memref<1600xi32, #tpu.memory_space<vmem>>
    %dma_wait3A_32 = arith.constant 0 : i32
    %dma_wait3A_33 = tpu.memref_slice %arg2[%dma_wait3A_32] : memref<3276800xi32, #tpu.memory_space<hbm>> -> memref<1600xi32, #tpu.memory_space<hbm>>
    tpu.wait_dma2 semaphore(%arg7 : memref<!tpu.dma_semaphore, #tpu.memory_space<semaphore_mem>>) src(%dma_wait3A_33 : memref<1600xi32, #tpu.memory_space<hbm>>) dst(%dma_wait3A_31 : memref<1600xi32, #tpu.memory_space<vmem>>)
    %dma_start3A_34 = arith.constant 0 : i32
    %dma_start3A_35 = arith.constant 0 : i32
    %dma_start3A_36 = arith.constant 0 : i32
    %dma_start3A_37 = arith.constant 0 : i32
    %dma_start3A_38 = tpu.memref_slice %arg6[%dma_start3A_35, %dma_start3A_36, %dma_start3A_37] : memref<2x1600x32xf32, #tpu.memory_space<vmem>> -> memref<1x1600x32xf32, #tpu.memory_space<vmem>>
    %dma_start3A_39 = tpu.memref_squeeze %dma_start3A_38 : memref<1x1600x32xf32, #tpu.memory_space<vmem>> -> memref<1600x32xf32, #tpu.memory_space<vmem>>
    %dma_start3A_40 = arith.constant 0 : i32
    %dma_start3A_41 = tpu.memref_slice %arg5[%dma_start3A_34, %dma_start3A_40] : memref<2x1600xi32, #tpu.memory_space<vmem>> -> memref<1x1600xi32, #tpu.memory_space<vmem>>
    %dma_start3A_42 = tpu.memref_squeeze %dma_start3A_41 : memref<1x1600xi32, #tpu.memory_space<vmem>> -> memref<1600xi32, #tpu.memory_space<vmem>>
    %dma_start3A_43 = arith.constant 0 : i32
    %dma_start3A_44 = arith.constant 0 : i32
    %dma_start3A_45 = tpu.memref_slice %arg3[%dma_start3A_43, %dma_start3A_44] : memref<1000000x32xf32, #tpu.memory_space<hbm>> -> memref<1000000x32xf32, #tpu.memory_space<hbm>>
    tpu.enqueue_indirect_dma source(%dma_start3A_45 : memref<1000000x32xf32, #tpu.memory_space<hbm>>) target(%dma_start3A_39 : memref<1600x32xf32, #tpu.memory_space<vmem>>) offsets(%dma_start3A_42 : memref<1600xi32, #tpu.memory_space<vmem>>) semaphore(%arg9 : memref<!tpu.dma_semaphore, #tpu.memory_space<semaphore_mem>>)
    %dma_wait3A_46 = arith.constant 1 : i32
    %dma_wait3A_47 = arith.constant 0 : i32
    %dma_wait3A_48 = tpu.memref_slice %arg5[%dma_wait3A_46, %dma_wait3A_47] : memref<2x1600xi32, #tpu.memory_space<vmem>> -> memref<1x1600xi32, #tpu.memory_space<vmem>>
    %dma_wait3A_49 = tpu.memref_squeeze %dma_wait3A_48 : memref<1x1600xi32, #tpu.memory_space<vmem>> -> memref<1600xi32, #tpu.memory_space<vmem>>
    %dma_wait3A_50 = arith.constant 0 : i32
    %dma_wait3A_51 = tpu.memref_slice %arg2[%dma_wait3A_50] : memref<3276800xi32, #tpu.memory_space<hbm>> -> memref<1600xi32, #tpu.memory_space<hbm>>
    %dma_wait3A_52 = arith.constant 0 : i32
    %dma_wait3A_53 = tpu.memref_slice %arg5[%dma_wait3A_46, %dma_wait3A_52] : memref<2x1600xi32, #tpu.memory_space<vmem>> -> memref<1x1600xi32, #tpu.memory_space<vmem>>
    %dma_wait3A_54 = tpu.memref_squeeze %dma_wait3A_53 : memref<1x1600xi32, #tpu.memory_space<vmem>> -> memref<1600xi32, #tpu.memory_space<vmem>>
    %dma_wait3A_55 = arith.constant 0 : i32
    %dma_wait3A_56 = tpu.memref_slice %arg2[%dma_wait3A_55] : memref<3276800xi32, #tpu.memory_space<hbm>> -> memref<1600xi32, #tpu.memory_space<hbm>>
    tpu.wait_dma2 semaphore(%arg8 : memref<!tpu.dma_semaphore, #tpu.memory_space<semaphore_mem>>) src(%dma_wait3A_56 : memref<1600xi32, #tpu.memory_space<hbm>>) dst(%dma_wait3A_54 : memref<1600xi32, #tpu.memory_space<vmem>>)
    %dma_start3A_57 = arith.constant 1 : i32
    %dma_start3A_58 = arith.constant 1 : i32
    %dma_start3A_59 = arith.constant 0 : i32
    %dma_start3A_60 = arith.constant 0 : i32
    %dma_start3A_61 = tpu.memref_slice %arg6[%dma_start3A_58, %dma_start3A_59, %dma_start3A_60] : memref<2x1600x32xf32, #tpu.memory_space<vmem>> -> memref<1x1600x32xf32, #tpu.memory_space<vmem>>
    %dma_start3A_62 = tpu.memref_squeeze %dma_start3A_61 : memref<1x1600x32xf32, #tpu.memory_space<vmem>> -> memref<1600x32xf32, #tpu.memory_space<vmem>>
    %dma_start3A_63 = arith.constant 0 : i32
    %dma_start3A_64 = tpu.memref_slice %arg5[%dma_start3A_57, %dma_start3A_63] : memref<2x1600xi32, #tpu.memory_space<vmem>> -> memref<1x1600xi32, #tpu.memory_space<vmem>>
    %dma_start3A_65 = tpu.memref_squeeze %dma_start3A_64 : memref<1x1600xi32, #tpu.memory_space<vmem>> -> memref<1600xi32, #tpu.memory_space<vmem>>
    %dma_start3A_66 = arith.constant 0 : i32
    %dma_start3A_67 = arith.constant 0 : i32
    %dma_start3A_68 = tpu.memref_slice %arg3[%dma_start3A_66, %dma_start3A_67] : memref<1000000x32xf32, #tpu.memory_space<hbm>> -> memref<1000000x32xf32, #tpu.memory_space<hbm>>
    tpu.enqueue_indirect_dma source(%dma_start3A_68 : memref<1000000x32xf32, #tpu.memory_space<hbm>>) target(%dma_start3A_62 : memref<1600x32xf32, #tpu.memory_space<vmem>>) offsets(%dma_start3A_65 : memref<1600xi32, #tpu.memory_space<vmem>>) semaphore(%arg10 : memref<!tpu.dma_semaphore, #tpu.memory_space<semaphore_mem>>)
    %dma_wait3A_69 = arith.constant 0 : i32
    %dma_wait3A_70 = arith.constant 0 : i32
    %dma_wait3A_71 = arith.constant 0 : i32
    %dma_wait3A_72 = arith.constant 0 : i32
    %dma_wait3A_73 = tpu.memref_slice %arg6[%dma_wait3A_70, %dma_wait3A_71, %dma_wait3A_72] : memref<2x1600x32xf32, #tpu.memory_space<vmem>> -> memref<1x1600x32xf32, #tpu.memory_space<vmem>>
    %dma_wait3A_74 = tpu.memref_squeeze %dma_wait3A_73 : memref<1x1600x32xf32, #tpu.memory_space<vmem>> -> memref<1600x32xf32, #tpu.memory_space<vmem>>
    %dma_wait3A_75 = arith.constant 0 : i32
    %dma_wait3A_76 = tpu.memref_slice %arg5[%dma_wait3A_69, %dma_wait3A_75] : memref<2x1600xi32, #tpu.memory_space<vmem>> -> memref<1x1600xi32, #tpu.memory_space<vmem>>
    %dma_wait3A_77 = tpu.memref_squeeze %dma_wait3A_76 : memref<1x1600xi32, #tpu.memory_space<vmem>> -> memref<1600xi32, #tpu.memory_space<vmem>>
    %dma_wait3A_78 = arith.constant 0 : i32
    %dma_wait3A_79 = arith.constant 0 : i32
    %dma_wait3A_80 = tpu.memref_slice %arg3[%dma_wait3A_78, %dma_wait3A_79] : memref<1000000x32xf32, #tpu.memory_space<hbm>> -> memref<1000000x32xf32, #tpu.memory_space<hbm>>
    tpu.wait_indirect_dma semaphore(%arg9 : memref<!tpu.dma_semaphore, #tpu.memory_space<semaphore_mem>>) src(%dma_wait3A_80 : memref<1000000x32xf32, #tpu.memory_space<hbm>>) dst(%dma_wait3A_74 : memref<1600x32xf32, #tpu.memory_space<vmem>>)
    %add3A_81 = arith.constant 0 : i32
    %add3A_82 = arith.addi %mul3A_2, %add3A_81 : i32
    %dma_start3A_83 = arith.constant 0 : i32
    %dma_start3A_84 = arith.constant 0 : i32
    %dma_start3A_85 = arith.constant 0 : i32
    %dma_start3A_86 = tpu.memref_slice %arg6[%dma_start3A_83, %dma_start3A_84, %dma_start3A_85] : memref<2x1600x32xf32, #tpu.memory_space<vmem>> -> memref<1x1600x32xf32, #tpu.memory_space<vmem>>
    %dma_start3A_87 = tpu.memref_squeeze %dma_start3A_86 : memref<1x1600x32xf32, #tpu.memory_space<vmem>> -> memref<1600x32xf32, #tpu.memory_space<vmem>>
    %dma_start3A_88 = arith.constant 0 : i32
    %dma_start3A_89 = tpu.memref_slice %arg4[%add3A_82, %dma_start3A_88] : memref<3276800x32xf32, #tpu.memory_space<hbm>> -> memref<1600x32xf32, #tpu.memory_space<hbm>>
    %dma_start3A_90 = arith.constant 0 : i32
    %dma_start3A_91 = tpu.memref_slice %arg4[%add3A_82, %dma_start3A_90] : memref<3276800x32xf32, #tpu.memory_space<hbm>> -> memref<1600x32xf32, #tpu.memory_space<hbm>>
    %dma_start3A_92 = arith.constant 0 : i32
    %dma_start3A_93 = arith.constant 0 : i32
    %dma_start3A_94 = tpu.memref_slice %arg6[%dma_start3A_83, %dma_start3A_92, %dma_start3A_93] : memref<2x1600x32xf32, #tpu.memory_space<vmem>> -> memref<1x1600x32xf32, #tpu.memory_space<vmem>>
    %dma_start3A_95 = tpu.memref_squeeze %dma_start3A_94 : memref<1x1600x32xf32, #tpu.memory_space<vmem>> -> memref<1600x32xf32, #tpu.memory_space<vmem>>
    tpu.enqueue_dma source(%dma_start3A_95 : memref<1600x32xf32, #tpu.memory_space<vmem>>) target(%dma_start3A_91 : memref<1600x32xf32, #tpu.memory_space<hbm>>) target_semaphore(%arg11 : memref<!tpu.dma_semaphore, #tpu.memory_space<semaphore_mem>>)
    %add3A_96 = arith.constant 3200 : i32
    %add3A_97 = arith.addi %mul3A_2, %add3A_96 : i32
    %dma_start3A_98 = arith.constant 0 : i32
    %dma_start3A_99 = arith.constant 0 : i32
    %dma_start3A_100 = tpu.memref_slice %arg5[%dma_start3A_98, %dma_start3A_99] : memref<2x1600xi32, #tpu.memory_space<vmem>> -> memref<1x1600xi32, #tpu.memory_space<vmem>>
    %dma_start3A_101 = tpu.memref_squeeze %dma_start3A_100 : memref<1x1600xi32, #tpu.memory_space<vmem>> -> memref<1600xi32, #tpu.memory_space<vmem>>
    %dma_start3A_102 = tpu.memref_slice %arg2[%add3A_97] : memref<3276800xi32, #tpu.memory_space<hbm>> -> memref<1600xi32, #tpu.memory_space<hbm>>
    %dma_start3A_103 = arith.constant 0 : i32
    %dma_start3A_104 = tpu.memref_slice %arg5[%dma_start3A_98, %dma_start3A_103] : memref<2x1600xi32, #tpu.memory_space<vmem>> -> memref<1x1600xi32, #tpu.memory_space<vmem>>
    %dma_start3A_105 = tpu.memref_squeeze %dma_start3A_104 : memref<1x1600xi32, #tpu.memory_space<vmem>> -> memref<1600xi32, #tpu.memory_space<vmem>>
    %dma_start3A_106 = tpu.memref_slice %arg2[%add3A_97] : memref<3276800xi32, #tpu.memory_space<hbm>> -> memref<1600xi32, #tpu.memory_space<hbm>>
    tpu.enqueue_dma source(%dma_start3A_106 : memref<1600xi32, #tpu.memory_space<hbm>>) target(%dma_start3A_105 : memref<1600xi32, #tpu.memory_space<vmem>>) target_semaphore(%arg7 : memref<!tpu.dma_semaphore, #tpu.memory_space<semaphore_mem>>)
    %dma_wait3A_107 = arith.constant 1 : i32
    %dma_wait3A_108 = arith.constant 1 : i32
    %dma_wait3A_109 = arith.constant 0 : i32
    %dma_wait3A_110 = arith.constant 0 : i32
    %dma_wait3A_111 = tpu.memref_slice %arg6[%dma_wait3A_108, %dma_wait3A_109, %dma_wait3A_110] : memref<2x1600x32xf32, #tpu.memory_space<vmem>> -> memref<1x1600x32xf32, #tpu.memory_space<vmem>>
    %dma_wait3A_112 = tpu.memref_squeeze %dma_wait3A_111 : memref<1x1600x32xf32, #tpu.memory_space<vmem>> -> memref<1600x32xf32, #tpu.memory_space<vmem>>
    %dma_wait3A_113 = arith.constant 0 : i32
    %dma_wait3A_114 = tpu.memref_slice %arg5[%dma_wait3A_107, %dma_wait3A_113] : memref<2x1600xi32, #tpu.memory_space<vmem>> -> memref<1x1600xi32, #tpu.memory_space<vmem>>
    %dma_wait3A_115 = tpu.memref_squeeze %dma_wait3A_114 : memref<1x1600xi32, #tpu.memory_space<vmem>> -> memref<1600xi32, #tpu.memory_space<vmem>>
    %dma_wait3A_116 = arith.constant 0 : i32
    %dma_wait3A_117 = arith.constant 0 : i32
    %dma_wait3A_118 = tpu.memref_slice %arg3[%dma_wait3A_116, %dma_wait3A_117] : memref<1000000x32xf32, #tpu.memory_space<hbm>> -> memref<1000000x32xf32, #tpu.memory_space<hbm>>
    tpu.wait_indirect_dma semaphore(%arg10 : memref<!tpu.dma_semaphore, #tpu.memory_space<semaphore_mem>>) src(%dma_wait3A_118 : memref<1000000x32xf32, #tpu.memory_space<hbm>>) dst(%dma_wait3A_112 : memref<1600x32xf32, #tpu.memory_space<vmem>>)
    %add3A_119 = arith.constant 1600 : i32
    %add3A_120 = arith.addi %mul3A_2, %add3A_119 : i32
    %dma_start3A_121 = arith.constant 1 : i32
    %dma_start3A_122 = arith.constant 0 : i32
    %dma_start3A_123 = arith.constant 0 : i32
    %dma_start3A_124 = tpu.memref_slice %arg6[%dma_start3A_121, %dma_start3A_122, %dma_start3A_123] : memref<2x1600x32xf32, #tpu.memory_space<vmem>> -> memref<1x1600x32xf32, #tpu.memory_space<vmem>>
    %dma_start3A_125 = tpu.memref_squeeze %dma_start3A_124 : memref<1x1600x32xf32, #tpu.memory_space<vmem>> -> memref<1600x32xf32, #tpu.memory_space<vmem>>
    %dma_start3A_126 = arith.constant 0 : i32
    %dma_start3A_127 = tpu.memref_slice %arg4[%add3A_120, %dma_start3A_126] : memref<3276800x32xf32, #tpu.memory_space<hbm>> -> memref<1600x32xf32, #tpu.memory_space<hbm>>
    %dma_start3A_128 = arith.constant 0 : i32
    %dma_start3A_129 = tpu.memref_slice %arg4[%add3A_120, %dma_start3A_128] : memref<3276800x32xf32, #tpu.memory_space<hbm>> -> memref<1600x32xf32, #tpu.memory_space<hbm>>
    %dma_start3A_130 = arith.constant 0 : i32
    %dma_start3A_131 = arith.constant 0 : i32
    %dma_start3A_132 = tpu.memref_slice %arg6[%dma_start3A_121, %dma_start3A_130, %dma_start3A_131] : memref<2x1600x32xf32, #tpu.memory_space<vmem>> -> memref<1x1600x32xf32, #tpu.memory_space<vmem>>
    %dma_start3A_133 = tpu.memref_squeeze %dma_start3A_132 : memref<1x1600x32xf32, #tpu.memory_space<vmem>> -> memref<1600x32xf32, #tpu.memory_space<vmem>>
    tpu.enqueue_dma source(%dma_start3A_133 : memref<1600x32xf32, #tpu.memory_space<vmem>>) target(%dma_start3A_129 : memref<1600x32xf32, #tpu.memory_space<hbm>>) target_semaphore(%arg12 : memref<!tpu.dma_semaphore, #tpu.memory_space<semaphore_mem>>)
    %add3A_134 = arith.constant 4800 : i32
    %add3A_135 = arith.addi %mul3A_2, %add3A_134 : i32
    %dma_start3A_136 = arith.constant 1 : i32
    %dma_start3A_137 = arith.constant 0 : i32
    %dma_start3A_138 = tpu.memref_slice %arg5[%dma_start3A_136, %dma_start3A_137] : memref<2x1600xi32, #tpu.memory_space<vmem>> -> memref<1x1600xi32, #tpu.memory_space<vmem>>
    %dma_start3A_139 = tpu.memref_squeeze %dma_start3A_138 : memref<1x1600xi32, #tpu.memory_space<vmem>> -> memref<1600xi32, #tpu.memory_space<vmem>>
    %dma_start3A_140 = tpu.memref_slice %arg2[%add3A_135] : memref<3276800xi32, #tpu.memory_space<hbm>> -> memref<1600xi32, #tpu.memory_space<hbm>>
    %dma_start3A_141 = arith.constant 0 : i32
    %dma_start3A_142 = tpu.memref_slice %arg5[%dma_start3A_136, %dma_start3A_141] : memref<2x1600xi32, #tpu.memory_space<vmem>> -> memref<1x1600xi32, #tpu.memory_space<vmem>>
    %dma_start3A_143 = tpu.memref_squeeze %dma_start3A_142 : memref<1x1600xi32, #tpu.memory_space<vmem>> -> memref<1600xi32, #tpu.memory_space<vmem>>
    %dma_start3A_144 = tpu.memref_slice %arg2[%add3A_135] : memref<3276800xi32, #tpu.memory_space<hbm>> -> memref<1600xi32, #tpu.memory_space<hbm>>
    tpu.enqueue_dma source(%dma_start3A_144 : memref<1600xi32, #tpu.memory_space<hbm>>) target(%dma_start3A_143 : memref<1600xi32, #tpu.memory_space<vmem>>) target_semaphore(%arg8 : memref<!tpu.dma_semaphore, #tpu.memory_space<semaphore_mem>>)
    %scan3A = arith.constant 0 : i32
    %scan3A_145 = arith.constant 31 : i32
    %scan3A_146 = arith.addi %scan3A, %scan3A_145 : i32
    %scan3A_147 = arith.constant 1 : i32
    scf.for %scan3A_201 = %scan3A to %scan3A_146 step %scan3A_147  : i32 {
      %mul3A_202 = arith.constant 1 : i32
      %mul3A_203 = arith.muli %scan3A_201, %mul3A_202 : i32
      %add3A_204 = arith.constant 1 : i32
      %add3A_205 = arith.addi %add3A_204, %mul3A_203 : i32
      %mul3A_206 = arith.constant 2 : i32
      %mul3A_207 = arith.muli %add3A_205, %mul3A_206 : i32
      %dma_wait3A_208 = arith.constant 0 : i32
      %dma_wait3A_209 = arith.constant 0 : i32
      %dma_wait3A_210 = tpu.memref_slice %arg5[%dma_wait3A_208, %dma_wait3A_209] : memref<2x1600xi32, #tpu.memory_space<vmem>> -> memref<1x1600xi32, #tpu.memory_space<vmem>>
      %dma_wait3A_211 = tpu.memref_squeeze %dma_wait3A_210 : memref<1x1600xi32, #tpu.memory_space<vmem>> -> memref<1600xi32, #tpu.memory_space<vmem>>
      %dma_wait3A_212 = arith.constant 0 : i32
      %dma_wait3A_213 = tpu.memref_slice %arg2[%dma_wait3A_212] : memref<3276800xi32, #tpu.memory_space<hbm>> -> memref<1600xi32, #tpu.memory_space<hbm>>
      %dma_wait3A_214 = arith.constant 0 : i32
      %dma_wait3A_215 = tpu.memref_slice %arg5[%dma_wait3A_208, %dma_wait3A_214] : memref<2x1600xi32, #tpu.memory_space<vmem>> -> memref<1x1600xi32, #tpu.memory_space<vmem>>
      %dma_wait3A_216 = tpu.memref_squeeze %dma_wait3A_215 : memref<1x1600xi32, #tpu.memory_space<vmem>> -> memref<1600xi32, #tpu.memory_space<vmem>>
      %dma_wait3A_217 = arith.constant 0 : i32
      %dma_wait3A_218 = tpu.memref_slice %arg2[%dma_wait3A_217] : memref<3276800xi32, #tpu.memory_space<hbm>> -> memref<1600xi32, #tpu.memory_space<hbm>>
      tpu.wait_dma2 semaphore(%arg7 : memref<!tpu.dma_semaphore, #tpu.memory_space<semaphore_mem>>) src(%dma_wait3A_218 : memref<1600xi32, #tpu.memory_space<hbm>>) dst(%dma_wait3A_216 : memref<1600xi32, #tpu.memory_space<vmem>>)
      %dma_wait3A_219 = arith.constant 0 : i32
      %dma_wait3A_220 = arith.constant 0 : i32
      %dma_wait3A_221 = arith.constant 0 : i32
      %dma_wait3A_222 = tpu.memref_slice %arg6[%dma_wait3A_219, %dma_wait3A_220, %dma_wait3A_221] : memref<2x1600x32xf32, #tpu.memory_space<vmem>> -> memref<1x1600x32xf32, #tpu.memory_space<vmem>>
      %dma_wait3A_223 = tpu.memref_squeeze %dma_wait3A_222 : memref<1x1600x32xf32, #tpu.memory_space<vmem>> -> memref<1600x32xf32, #tpu.memory_space<vmem>>
      %dma_wait3A_224 = arith.constant 0 : i32
      %dma_wait3A_225 = arith.constant 0 : i32
      %dma_wait3A_226 = tpu.memref_slice %arg4[%dma_wait3A_224, %dma_wait3A_225] : memref<3276800x32xf32, #tpu.memory_space<hbm>> -> memref<1600x32xf32, #tpu.memory_space<hbm>>
      %dma_wait3A_227 = arith.constant 0 : i32
      %dma_wait3A_228 = arith.constant 0 : i32
      %dma_wait3A_229 = tpu.memref_slice %arg4[%dma_wait3A_227, %dma_wait3A_228] : memref<3276800x32xf32, #tpu.memory_space<hbm>> -> memref<1600x32xf32, #tpu.memory_space<hbm>>
      %dma_wait3A_230 = arith.constant 0 : i32
      %dma_wait3A_231 = arith.constant 0 : i32
      %dma_wait3A_232 = tpu.memref_slice %arg6[%dma_wait3A_219, %dma_wait3A_230, %dma_wait3A_231] : memref<2x1600x32xf32, #tpu.memory_space<vmem>> -> memref<1x1600x32xf32, #tpu.memory_space<vmem>>
      %dma_wait3A_233 = tpu.memref_squeeze %dma_wait3A_232 : memref<1x1600x32xf32, #tpu.memory_space<vmem>> -> memref<1600x32xf32, #tpu.memory_space<vmem>>
      tpu.wait_dma2 semaphore(%arg11 : memref<!tpu.dma_semaphore, #tpu.memory_space<semaphore_mem>>) src(%dma_wait3A_233 : memref<1600x32xf32, #tpu.memory_space<vmem>>) dst(%dma_wait3A_229 : memref<1600x32xf32, #tpu.memory_space<hbm>>)
      %dma_start3A_234 = arith.constant 0 : i32
      %dma_start3A_235 = arith.constant 0 : i32
      %dma_start3A_236 = arith.constant 0 : i32
      %dma_start3A_237 = arith.constant 0 : i32
      %dma_start3A_238 = tpu.memref_slice %arg6[%dma_start3A_235, %dma_start3A_236, %dma_start3A_237] : memref<2x1600x32xf32, #tpu.memory_space<vmem>> -> memref<1x1600x32xf32, #tpu.memory_space<vmem>>
      %dma_start3A_239 = tpu.memref_squeeze %dma_start3A_238 : memref<1x1600x32xf32, #tpu.memory_space<vmem>> -> memref<1600x32xf32, #tpu.memory_space<vmem>>
      %dma_start3A_240 = arith.constant 0 : i32
      %dma_start3A_241 = tpu.memref_slice %arg5[%dma_start3A_234, %dma_start3A_240] : memref<2x1600xi32, #tpu.memory_space<vmem>> -> memref<1x1600xi32, #tpu.memory_space<vmem>>
      %dma_start3A_242 = tpu.memref_squeeze %dma_start3A_241 : memref<1x1600xi32, #tpu.memory_space<vmem>> -> memref<1600xi32, #tpu.memory_space<vmem>>
      %dma_start3A_243 = arith.constant 0 : i32
      %dma_start3A_244 = arith.constant 0 : i32
      %dma_start3A_245 = tpu.memref_slice %arg3[%dma_start3A_243, %dma_start3A_244] : memref<1000000x32xf32, #tpu.memory_space<hbm>> -> memref<1000000x32xf32, #tpu.memory_space<hbm>>
      tpu.enqueue_indirect_dma source(%dma_start3A_245 : memref<1000000x32xf32, #tpu.memory_space<hbm>>) target(%dma_start3A_239 : memref<1600x32xf32, #tpu.memory_space<vmem>>) offsets(%dma_start3A_242 : memref<1600xi32, #tpu.memory_space<vmem>>) semaphore(%arg9 : memref<!tpu.dma_semaphore, #tpu.memory_space<semaphore_mem>>)
      %dma_wait3A_246 = arith.constant 1 : i32
      %dma_wait3A_247 = arith.constant 0 : i32
      %dma_wait3A_248 = tpu.memref_slice %arg5[%dma_wait3A_246, %dma_wait3A_247] : memref<2x1600xi32, #tpu.memory_space<vmem>> -> memref<1x1600xi32, #tpu.memory_space<vmem>>
      %dma_wait3A_249 = tpu.memref_squeeze %dma_wait3A_248 : memref<1x1600xi32, #tpu.memory_space<vmem>> -> memref<1600xi32, #tpu.memory_space<vmem>>
      %dma_wait3A_250 = arith.constant 0 : i32
      %dma_wait3A_251 = tpu.memref_slice %arg2[%dma_wait3A_250] : memref<3276800xi32, #tpu.memory_space<hbm>> -> memref<1600xi32, #tpu.memory_space<hbm>>
      %dma_wait3A_252 = arith.constant 0 : i32
      %dma_wait3A_253 = tpu.memref_slice %arg5[%dma_wait3A_246, %dma_wait3A_252] : memref<2x1600xi32, #tpu.memory_space<vmem>> -> memref<1x1600xi32, #tpu.memory_space<vmem>>
      %dma_wait3A_254 = tpu.memref_squeeze %dma_wait3A_253 : memref<1x1600xi32, #tpu.memory_space<vmem>> -> memref<1600xi32, #tpu.memory_space<vmem>>
      %dma_wait3A_255 = arith.constant 0 : i32
      %dma_wait3A_256 = tpu.memref_slice %arg2[%dma_wait3A_255] : memref<3276800xi32, #tpu.memory_space<hbm>> -> memref<1600xi32, #tpu.memory_space<hbm>>
      tpu.wait_dma2 semaphore(%arg8 : memref<!tpu.dma_semaphore, #tpu.memory_space<semaphore_mem>>) src(%dma_wait3A_256 : memref<1600xi32, #tpu.memory_space<hbm>>) dst(%dma_wait3A_254 : memref<1600xi32, #tpu.memory_space<vmem>>)
      %dma_wait3A_257 = arith.constant 1 : i32
      %dma_wait3A_258 = arith.constant 0 : i32
      %dma_wait3A_259 = arith.constant 0 : i32
      %dma_wait3A_260 = tpu.memref_slice %arg6[%dma_wait3A_257, %dma_wait3A_258, %dma_wait3A_259] : memref<2x1600x32xf32, #tpu.memory_space<vmem>> -> memref<1x1600x32xf32, #tpu.memory_space<vmem>>
      %dma_wait3A_261 = tpu.memref_squeeze %dma_wait3A_260 : memref<1x1600x32xf32, #tpu.memory_space<vmem>> -> memref<1600x32xf32, #tpu.memory_space<vmem>>
      %dma_wait3A_262 = arith.constant 0 : i32
      %dma_wait3A_263 = arith.constant 0 : i32
      %dma_wait3A_264 = tpu.memref_slice %arg4[%dma_wait3A_262, %dma_wait3A_263] : memref<3276800x32xf32, #tpu.memory_space<hbm>> -> memref<1600x32xf32, #tpu.memory_space<hbm>>
      %dma_wait3A_265 = arith.constant 0 : i32
      %dma_wait3A_266 = arith.constant 0 : i32
      %dma_wait3A_267 = tpu.memref_slice %arg4[%dma_wait3A_265, %dma_wait3A_266] : memref<3276800x32xf32, #tpu.memory_space<hbm>> -> memref<1600x32xf32, #tpu.memory_space<hbm>>
      %dma_wait3A_268 = arith.constant 0 : i32
      %dma_wait3A_269 = arith.constant 0 : i32
      %dma_wait3A_270 = tpu.memref_slice %arg6[%dma_wait3A_257, %dma_wait3A_268, %dma_wait3A_269] : memref<2x1600x32xf32, #tpu.memory_space<vmem>> -> memref<1x1600x32xf32, #tpu.memory_space<vmem>>
      %dma_wait3A_271 = tpu.memref_squeeze %dma_wait3A_270 : memref<1x1600x32xf32, #tpu.memory_space<vmem>> -> memref<1600x32xf32, #tpu.memory_space<vmem>>
      tpu.wait_dma2 semaphore(%arg12 : memref<!tpu.dma_semaphore, #tpu.memory_space<semaphore_mem>>) src(%dma_wait3A_271 : memref<1600x32xf32, #tpu.memory_space<vmem>>) dst(%dma_wait3A_267 : memref<1600x32xf32, #tpu.memory_space<hbm>>)
      %dma_start3A_272 = arith.constant 1 : i32
      %dma_start3A_273 = arith.constant 1 : i32
      %dma_start3A_274 = arith.constant 0 : i32
      %dma_start3A_275 = arith.constant 0 : i32
      %dma_start3A_276 = tpu.memref_slice %arg6[%dma_start3A_273, %dma_start3A_274, %dma_start3A_275] : memref<2x1600x32xf32, #tpu.memory_space<vmem>> -> memref<1x1600x32xf32, #tpu.memory_space<vmem>>
      %dma_start3A_277 = tpu.memref_squeeze %dma_start3A_276 : memref<1x1600x32xf32, #tpu.memory_space<vmem>> -> memref<1600x32xf32, #tpu.memory_space<vmem>>
      %dma_start3A_278 = arith.constant 0 : i32
      %dma_start3A_279 = tpu.memref_slice %arg5[%dma_start3A_272, %dma_start3A_278] : memref<2x1600xi32, #tpu.memory_space<vmem>> -> memref<1x1600xi32, #tpu.memory_space<vmem>>
      %dma_start3A_280 = tpu.memref_squeeze %dma_start3A_279 : memref<1x1600xi32, #tpu.memory_space<vmem>> -> memref<1600xi32, #tpu.memory_space<vmem>>
      %dma_start3A_281 = arith.constant 0 : i32
      %dma_start3A_282 = arith.constant 0 : i32
      %dma_start3A_283 = tpu.memref_slice %arg3[%dma_start3A_281, %dma_start3A_282] : memref<1000000x32xf32, #tpu.memory_space<hbm>> -> memref<1000000x32xf32, #tpu.memory_space<hbm>>
      tpu.enqueue_indirect_dma source(%dma_start3A_283 : memref<1000000x32xf32, #tpu.memory_space<hbm>>) target(%dma_start3A_277 : memref<1600x32xf32, #tpu.memory_space<vmem>>) offsets(%dma_start3A_280 : memref<1600xi32, #tpu.memory_space<vmem>>) semaphore(%arg10 : memref<!tpu.dma_semaphore, #tpu.memory_space<semaphore_mem>>)
      %dma_wait3A_284 = arith.constant 0 : i32
      %dma_wait3A_285 = arith.constant 0 : i32
      %dma_wait3A_286 = arith.constant 0 : i32
      %dma_wait3A_287 = arith.constant 0 : i32
      %dma_wait3A_288 = tpu.memref_slice %arg6[%dma_wait3A_285, %dma_wait3A_286, %dma_wait3A_287] : memref<2x1600x32xf32, #tpu.memory_space<vmem>> -> memref<1x1600x32xf32, #tpu.memory_space<vmem>>
      %dma_wait3A_289 = tpu.memref_squeeze %dma_wait3A_288 : memref<1x1600x32xf32, #tpu.memory_space<vmem>> -> memref<1600x32xf32, #tpu.memory_space<vmem>>
      %dma_wait3A_290 = arith.constant 0 : i32
      %dma_wait3A_291 = tpu.memref_slice %arg5[%dma_wait3A_284, %dma_wait3A_290] : memref<2x1600xi32, #tpu.memory_space<vmem>> -> memref<1x1600xi32, #tpu.memory_space<vmem>>
      %dma_wait3A_292 = tpu.memref_squeeze %dma_wait3A_291 : memref<1x1600xi32, #tpu.memory_space<vmem>> -> memref<1600xi32, #tpu.memory_space<vmem>>
      %dma_wait3A_293 = arith.constant 0 : i32
      %dma_wait3A_294 = arith.constant 0 : i32
      %dma_wait3A_295 = tpu.memref_slice %arg3[%dma_wait3A_293, %dma_wait3A_294] : memref<1000000x32xf32, #tpu.memory_space<hbm>> -> memref<1000000x32xf32, #tpu.memory_space<hbm>>
      tpu.wait_indirect_dma semaphore(%arg9 : memref<!tpu.dma_semaphore, #tpu.memory_space<semaphore_mem>>) src(%dma_wait3A_295 : memref<1000000x32xf32, #tpu.memory_space<hbm>>) dst(%dma_wait3A_289 : memref<1600x32xf32, #tpu.memory_space<vmem>>)
      %add3A_296 = arith.constant 0 : i32
      %add3A_297 = arith.addi %mul3A_207, %add3A_296 : i32
      %mul3A_298 = arith.constant 1600 : i32
      %mul3A_299 = arith.muli %add3A_297, %mul3A_298 : i32
      %add3A_300 = arith.addi %mul3A_2, %mul3A_299 : i32
      %dma_start3A_301 = arith.constant 0 : i32
      %dma_start3A_302 = arith.constant 0 : i32
      %dma_start3A_303 = arith.constant 0 : i32
      %dma_start3A_304 = tpu.memref_slice %arg6[%dma_start3A_301, %dma_start3A_302, %dma_start3A_303] : memref<2x1600x32xf32, #tpu.memory_space<vmem>> -> memref<1x1600x32xf32, #tpu.memory_space<vmem>>
      %dma_start3A_305 = tpu.memref_squeeze %dma_start3A_304 : memref<1x1600x32xf32, #tpu.memory_space<vmem>> -> memref<1600x32xf32, #tpu.memory_space<vmem>>
      %dma_start3A_306 = arith.constant 0 : i32
      %dma_start3A_307 = tpu.memref_slice %arg4[%add3A_300, %dma_start3A_306] : memref<3276800x32xf32, #tpu.memory_space<hbm>> -> memref<1600x32xf32, #tpu.memory_space<hbm>>
      %dma_start3A_308 = arith.constant 0 : i32
      %dma_start3A_309 = tpu.memref_slice %arg4[%add3A_300, %dma_start3A_308] : memref<3276800x32xf32, #tpu.memory_space<hbm>> -> memref<1600x32xf32, #tpu.memory_space<hbm>>
      %dma_start3A_310 = arith.constant 0 : i32
      %dma_start3A_311 = arith.constant 0 : i32
      %dma_start3A_312 = tpu.memref_slice %arg6[%dma_start3A_301, %dma_start3A_310, %dma_start3A_311] : memref<2x1600x32xf32, #tpu.memory_space<vmem>> -> memref<1x1600x32xf32, #tpu.memory_space<vmem>>
      %dma_start3A_313 = tpu.memref_squeeze %dma_start3A_312 : memref<1x1600x32xf32, #tpu.memory_space<vmem>> -> memref<1600x32xf32, #tpu.memory_space<vmem>>
      tpu.enqueue_dma source(%dma_start3A_313 : memref<1600x32xf32, #tpu.memory_space<vmem>>) target(%dma_start3A_309 : memref<1600x32xf32, #tpu.memory_space<hbm>>) target_semaphore(%arg11 : memref<!tpu.dma_semaphore, #tpu.memory_space<semaphore_mem>>)
      %add3A_314 = arith.constant 2 : i32
      %add3A_315 = arith.addi %mul3A_207, %add3A_314 : i32
      %add3A_316 = arith.constant 0 : i32
      %add3A_317 = arith.addi %add3A_315, %add3A_316 : i32
      %min3A = arith.constant 63 : i32
      %min3A_318 = arith.minsi %add3A_317, %min3A : i32
      %mul3A_319 = arith.constant 1600 : i32
      %mul3A_320 = arith.muli %min3A_318, %mul3A_319 : i32
      %add3A_321 = arith.addi %mul3A_2, %mul3A_320 : i32
      %dma_start3A_322 = arith.constant 0 : i32
      %dma_start3A_323 = arith.constant 0 : i32
      %dma_start3A_324 = tpu.memref_slice %arg5[%dma_start3A_322, %dma_start3A_323] : memref<2x1600xi32, #tpu.memory_space<vmem>> -> memref<1x1600xi32, #tpu.memory_space<vmem>>
      %dma_start3A_325 = tpu.memref_squeeze %dma_start3A_324 : memref<1x1600xi32, #tpu.memory_space<vmem>> -> memref<1600xi32, #tpu.memory_space<vmem>>
      %dma_start3A_326 = tpu.memref_slice %arg2[%add3A_321] : memref<3276800xi32, #tpu.memory_space<hbm>> -> memref<1600xi32, #tpu.memory_space<hbm>>
      %dma_start3A_327 = arith.constant 0 : i32
      %dma_start3A_328 = tpu.memref_slice %arg5[%dma_start3A_322, %dma_start3A_327] : memref<2x1600xi32, #tpu.memory_space<vmem>> -> memref<1x1600xi32, #tpu.memory_space<vmem>>
      %dma_start3A_329 = tpu.memref_squeeze %dma_start3A_328 : memref<1x1600xi32, #tpu.memory_space<vmem>> -> memref<1600xi32, #tpu.memory_space<vmem>>
      %dma_start3A_330 = tpu.memref_slice %arg2[%add3A_321] : memref<3276800xi32, #tpu.memory_space<hbm>> -> memref<1600xi32, #tpu.memory_space<hbm>>
      tpu.enqueue_dma source(%dma_start3A_330 : memref<1600xi32, #tpu.memory_space<hbm>>) target(%dma_start3A_329 : memref<1600xi32, #tpu.memory_space<vmem>>) target_semaphore(%arg7 : memref<!tpu.dma_semaphore, #tpu.memory_space<semaphore_mem>>)
      %dma_wait3A_331 = arith.constant 1 : i32
      %dma_wait3A_332 = arith.constant 1 : i32
      %dma_wait3A_333 = arith.constant 0 : i32
      %dma_wait3A_334 = arith.constant 0 : i32
      %dma_wait3A_335 = tpu.memref_slice %arg6[%dma_wait3A_332, %dma_wait3A_333, %dma_wait3A_334] : memref<2x1600x32xf32, #tpu.memory_space<vmem>> -> memref<1x1600x32xf32, #tpu.memory_space<vmem>>
      %dma_wait3A_336 = tpu.memref_squeeze %dma_wait3A_335 : memref<1x1600x32xf32, #tpu.memory_space<vmem>> -> memref<1600x32xf32, #tpu.memory_space<vmem>>
      %dma_wait3A_337 = arith.constant 0 : i32
      %dma_wait3A_338 = tpu.memref_slice %arg5[%dma_wait3A_331, %dma_wait3A_337] : memref<2x1600xi32, #tpu.memory_space<vmem>> -> memref<1x1600xi32, #tpu.memory_space<vmem>>
      %dma_wait3A_339 = tpu.memref_squeeze %dma_wait3A_338 : memref<1x1600xi32, #tpu.memory_space<vmem>> -> memref<1600xi32, #tpu.memory_space<vmem>>
      %dma_wait3A_340 = arith.constant 0 : i32
      %dma_wait3A_341 = arith.constant 0 : i32
      %dma_wait3A_342 = tpu.memref_slice %arg3[%dma_wait3A_340, %dma_wait3A_341] : memref<1000000x32xf32, #tpu.memory_space<hbm>> -> memref<1000000x32xf32, #tpu.memory_space<hbm>>
      tpu.wait_indirect_dma semaphore(%arg10 : memref<!tpu.dma_semaphore, #tpu.memory_space<semaphore_mem>>) src(%dma_wait3A_342 : memref<1000000x32xf32, #tpu.memory_space<hbm>>) dst(%dma_wait3A_336 : memref<1600x32xf32, #tpu.memory_space<vmem>>)
      %add3A_343 = arith.constant 1 : i32
      %add3A_344 = arith.addi %mul3A_207, %add3A_343 : i32
      %mul3A_345 = arith.constant 1600 : i32
      %mul3A_346 = arith.muli %add3A_344, %mul3A_345 : i32
      %add3A_347 = arith.addi %mul3A_2, %mul3A_346 : i32
      %dma_start3A_348 = arith.constant 1 : i32
      %dma_start3A_349 = arith.constant 0 : i32
      %dma_start3A_350 = arith.constant 0 : i32
      %dma_start3A_351 = tpu.memref_slice %arg6[%dma_start3A_348, %dma_start3A_349, %dma_start3A_350] : memref<2x1600x32xf32, #tpu.memory_space<vmem>> -> memref<1x1600x32xf32, #tpu.memory_space<vmem>>
      %dma_start3A_352 = tpu.memref_squeeze %dma_start3A_351 : memref<1x1600x32xf32, #tpu.memory_space<vmem>> -> memref<1600x32xf32, #tpu.memory_space<vmem>>
      %dma_start3A_353 = arith.constant 0 : i32
      %dma_start3A_354 = tpu.memref_slice %arg4[%add3A_347, %dma_start3A_353] : memref<3276800x32xf32, #tpu.memory_space<hbm>> -> memref<1600x32xf32, #tpu.memory_space<hbm>>
      %dma_start3A_355 = arith.constant 0 : i32
      %dma_start3A_356 = tpu.memref_slice %arg4[%add3A_347, %dma_start3A_355] : memref<3276800x32xf32, #tpu.memory_space<hbm>> -> memref<1600x32xf32, #tpu.memory_space<hbm>>
      %dma_start3A_357 = arith.constant 0 : i32
      %dma_start3A_358 = arith.constant 0 : i32
      %dma_start3A_359 = tpu.memref_slice %arg6[%dma_start3A_348, %dma_start3A_357, %dma_start3A_358] : memref<2x1600x32xf32, #tpu.memory_space<vmem>> -> memref<1x1600x32xf32, #tpu.memory_space<vmem>>
      %dma_start3A_360 = tpu.memref_squeeze %dma_start3A_359 : memref<1x1600x32xf32, #tpu.memory_space<vmem>> -> memref<1600x32xf32, #tpu.memory_space<vmem>>
      tpu.enqueue_dma source(%dma_start3A_360 : memref<1600x32xf32, #tpu.memory_space<vmem>>) target(%dma_start3A_356 : memref<1600x32xf32, #tpu.memory_space<hbm>>) target_semaphore(%arg12 : memref<!tpu.dma_semaphore, #tpu.memory_space<semaphore_mem>>)
      %add3A_361 = arith.constant 2 : i32
      %add3A_362 = arith.addi %mul3A_207, %add3A_361 : i32
      %add3A_363 = arith.constant 1 : i32
      %add3A_364 = arith.addi %add3A_362, %add3A_363 : i32
      %min3A_365 = arith.constant 63 : i32
      %min3A_366 = arith.minsi %add3A_364, %min3A_365 : i32
      %mul3A_367 = arith.constant 1600 : i32
      %mul3A_368 = arith.muli %min3A_366, %mul3A_367 : i32
      %add3A_369 = arith.addi %mul3A_2, %mul3A_368 : i32
      %dma_start3A_370 = arith.constant 1 : i32
      %dma_start3A_371 = arith.constant 0 : i32
      %dma_start3A_372 = tpu.memref_slice %arg5[%dma_start3A_370, %dma_start3A_371] : memref<2x1600xi32, #tpu.memory_space<vmem>> -> memref<1x1600xi32, #tpu.memory_space<vmem>>
      %dma_start3A_373 = tpu.memref_squeeze %dma_start3A_372 : memref<1x1600xi32, #tpu.memory_space<vmem>> -> memref<1600xi32, #tpu.memory_space<vmem>>
      %dma_start3A_374 = tpu.memref_slice %arg2[%add3A_369] : memref<3276800xi32, #tpu.memory_space<hbm>> -> memref<1600xi32, #tpu.memory_space<hbm>>
      %dma_start3A_375 = arith.constant 0 : i32
      %dma_start3A_376 = tpu.memref_slice %arg5[%dma_start3A_370, %dma_start3A_375] : memref<2x1600xi32, #tpu.memory_space<vmem>> -> memref<1x1600xi32, #tpu.memory_space<vmem>>
      %dma_start3A_377 = tpu.memref_squeeze %dma_start3A_376 : memref<1x1600xi32, #tpu.memory_space<vmem>> -> memref<1600xi32, #tpu.memory_space<vmem>>
      %dma_start3A_378 = tpu.memref_slice %arg2[%add3A_369] : memref<3276800xi32, #tpu.memory_space<hbm>> -> memref<1600xi32, #tpu.memory_space<hbm>>
      tpu.enqueue_dma source(%dma_start3A_378 : memref<1600xi32, #tpu.memory_space<hbm>>) target(%dma_start3A_377 : memref<1600xi32, #tpu.memory_space<vmem>>) target_semaphore(%arg8 : memref<!tpu.dma_semaphore, #tpu.memory_space<semaphore_mem>>)
    }
    %scan3A_148 = arith.constant 31 : i32
    %dma_wait3A_149 = arith.constant 0 : i32
    %dma_wait3A_150 = arith.constant 0 : i32
    %dma_wait3A_151 = tpu.memref_slice %arg5[%dma_wait3A_149, %dma_wait3A_150] : memref<2x1600xi32, #tpu.memory_space<vmem>> -> memref<1x1600xi32, #tpu.memory_space<vmem>>
    %dma_wait3A_152 = tpu.memref_squeeze %dma_wait3A_151 : memref<1x1600xi32, #tpu.memory_space<vmem>> -> memref<1600xi32, #tpu.memory_space<vmem>>
    %dma_wait3A_153 = arith.constant 0 : i32
    %dma_wait3A_154 = tpu.memref_slice %arg2[%dma_wait3A_153] : memref<3276800xi32, #tpu.memory_space<hbm>> -> memref<1600xi32, #tpu.memory_space<hbm>>
    %dma_wait3A_155 = arith.constant 0 : i32
    %dma_wait3A_156 = tpu.memref_slice %arg5[%dma_wait3A_149, %dma_wait3A_155] : memref<2x1600xi32, #tpu.memory_space<vmem>> -> memref<1x1600xi32, #tpu.memory_space<vmem>>
    %dma_wait3A_157 = tpu.memref_squeeze %dma_wait3A_156 : memref<1x1600xi32, #tpu.memory_space<vmem>> -> memref<1600xi32, #tpu.memory_space<vmem>>
    %dma_wait3A_158 = arith.constant 0 : i32
    %dma_wait3A_159 = tpu.memref_slice %arg2[%dma_wait3A_158] : memref<3276800xi32, #tpu.memory_space<hbm>> -> memref<1600xi32, #tpu.memory_space<hbm>>
    tpu.wait_dma2 semaphore(%arg7 : memref<!tpu.dma_semaphore, #tpu.memory_space<semaphore_mem>>) src(%dma_wait3A_159 : memref<1600xi32, #tpu.memory_space<hbm>>) dst(%dma_wait3A_157 : memref<1600xi32, #tpu.memory_space<vmem>>)
    %dma_wait3A_160 = arith.constant 0 : i32
    %dma_wait3A_161 = arith.constant 0 : i32
    %dma_wait3A_162 = arith.constant 0 : i32
    %dma_wait3A_163 = tpu.memref_slice %arg6[%dma_wait3A_160, %dma_wait3A_161, %dma_wait3A_162] : memref<2x1600x32xf32, #tpu.memory_space<vmem>> -> memref<1x1600x32xf32, #tpu.memory_space<vmem>>
    %dma_wait3A_164 = tpu.memref_squeeze %dma_wait3A_163 : memref<1x1600x32xf32, #tpu.memory_space<vmem>> -> memref<1600x32xf32, #tpu.memory_space<vmem>>
    %dma_wait3A_165 = arith.constant 0 : i32
    %dma_wait3A_166 = arith.constant 0 : i32
    %dma_wait3A_167 = tpu.memref_slice %arg4[%dma_wait3A_165, %dma_wait3A_166] : memref<3276800x32xf32, #tpu.memory_space<hbm>> -> memref<1600x32xf32, #tpu.memory_space<hbm>>
    %dma_wait3A_168 = arith.constant 0 : i32
    %dma_wait3A_169 = arith.constant 0 : i32
    %dma_wait3A_170 = tpu.memref_slice %arg4[%dma_wait3A_168, %dma_wait3A_169] : memref<3276800x32xf32, #tpu.memory_space<hbm>> -> memref<1600x32xf32, #tpu.memory_space<hbm>>
    %dma_wait3A_171 = arith.constant 0 : i32
    %dma_wait3A_172 = arith.constant 0 : i32
    %dma_wait3A_173 = tpu.memref_slice %arg6[%dma_wait3A_160, %dma_wait3A_171, %dma_wait3A_172] : memref<2x1600x32xf32, #tpu.memory_space<vmem>> -> memref<1x1600x32xf32, #tpu.memory_space<vmem>>
    %dma_wait3A_174 = tpu.memref_squeeze %dma_wait3A_173 : memref<1x1600x32xf32, #tpu.memory_space<vmem>> -> memref<1600x32xf32, #tpu.memory_space<vmem>>
    tpu.wait_dma2 semaphore(%arg11 : memref<!tpu.dma_semaphore, #tpu.memory_space<semaphore_mem>>) src(%dma_wait3A_174 : memref<1600x32xf32, #tpu.memory_space<vmem>>) dst(%dma_wait3A_170 : memref<1600x32xf32, #tpu.memory_space<hbm>>)
    %dma_wait3A_175 = arith.constant 1 : i32
    %dma_wait3A_176 = arith.constant 0 : i32
    %dma_wait3A_177 = tpu.memref_slice %arg5[%dma_wait3A_175, %dma_wait3A_176] : memref<2x1600xi32, #tpu.memory_space<vmem>> -> memref<1x1600xi32, #tpu.memory_space<vmem>>
    %dma_wait3A_178 = tpu.memref_squeeze %dma_wait3A_177 : memref<1x1600xi32, #tpu.memory_space<vmem>> -> memref<1600xi32, #tpu.memory_space<vmem>>
    %dma_wait3A_179 = arith.constant 0 : i32
    %dma_wait3A_180 = tpu.memref_slice %arg2[%dma_wait3A_179] : memref<3276800xi32, #tpu.memory_space<hbm>> -> memref<1600xi32, #tpu.memory_space<hbm>>
    %dma_wait3A_181 = arith.constant 0 : i32
    %dma_wait3A_182 = tpu.memref_slice %arg5[%dma_wait3A_175, %dma_wait3A_181] : memref<2x1600xi32, #tpu.memory_space<vmem>> -> memref<1x1600xi32, #tpu.memory_space<vmem>>
    %dma_wait3A_183 = tpu.memref_squeeze %dma_wait3A_182 : memref<1x1600xi32, #tpu.memory_space<vmem>> -> memref<1600xi32, #tpu.memory_space<vmem>>
    %dma_wait3A_184 = arith.constant 0 : i32
    %dma_wait3A_185 = tpu.memref_slice %arg2[%dma_wait3A_184] : memref<3276800xi32, #tpu.memory_space<hbm>> -> memref<1600xi32, #tpu.memory_space<hbm>>
    tpu.wait_dma2 semaphore(%arg8 : memref<!tpu.dma_semaphore, #tpu.memory_space<semaphore_mem>>) src(%dma_wait3A_185 : memref<1600xi32, #tpu.memory_space<hbm>>) dst(%dma_wait3A_183 : memref<1600xi32, #tpu.memory_space<vmem>>)
    %dma_wait3A_186 = arith.constant 1 : i32
    %dma_wait3A_187 = arith.constant 0 : i32
    %dma_wait3A_188 = arith.constant 0 : i32
    %dma_wait3A_189 = tpu.memref_slice %arg6[%dma_wait3A_186, %dma_wait3A_187, %dma_wait3A_188] : memref<2x1600x32xf32, #tpu.memory_space<vmem>> -> memref<1x1600x32xf32, #tpu.memory_space<vmem>>
    %dma_wait3A_190 = tpu.memref_squeeze %dma_wait3A_189 : memref<1x1600x32xf32, #tpu.memory_space<vmem>> -> memref<1600x32xf32, #tpu.memory_space<vmem>>
    %dma_wait3A_191 = arith.constant 0 : i32
    %dma_wait3A_192 = arith.constant 0 : i32
    %dma_wait3A_193 = tpu.memref_slice %arg4[%dma_wait3A_191, %dma_wait3A_192] : memref<3276800x32xf32, #tpu.memory_space<hbm>> -> memref<1600x32xf32, #tpu.memory_space<hbm>>
    %dma_wait3A_194 = arith.constant 0 : i32
    %dma_wait3A_195 = arith.constant 0 : i32
    %dma_wait3A_196 = tpu.memref_slice %arg4[%dma_wait3A_194, %dma_wait3A_195] : memref<3276800x32xf32, #tpu.memory_space<hbm>> -> memref<1600x32xf32, #tpu.memory_space<hbm>>
    %dma_wait3A_197 = arith.constant 0 : i32
    %dma_wait3A_198 = arith.constant 0 : i32
    %dma_wait3A_199 = tpu.memref_slice %arg6[%dma_wait3A_186, %dma_wait3A_197, %dma_wait3A_198] : memref<2x1600x32xf32, #tpu.memory_space<vmem>> -> memref<1x1600x32xf32, #tpu.memory_space<vmem>>
    %dma_wait3A_200 = tpu.memref_squeeze %dma_wait3A_199 : memref<1x1600x32xf32, #tpu.memory_space<vmem>> -> memref<1600x32xf32, #tpu.memory_space<vmem>>
    tpu.wait_dma2 semaphore(%arg12 : memref<!tpu.dma_semaphore, #tpu.memory_space<semaphore_mem>>) src(%dma_wait3A_200 : memref<1600x32xf32, #tpu.memory_space<vmem>>) dst(%dma_wait3A_196 : memref<1600x32xf32, #tpu.memory_space<hbm>>)
    return
  }
}

</mosaic_0001>

<sc_bundles>
// kernel: kernel.3.cloned.1.call-start
scs
__scs_entry_jumppad:
0x0: {  	(pc) =	sbr.rel $0x88, $3  }
0x1: {  	(tag) =	ssettag $0x0;
	lr =	simm.s32 $0x1  }
0x2: {  	[smem:$0x3F9F] =	sst lr;
	_ =	strace $0xD0000000  }
0x3: {  	_ = 	snop  }
0x4: {  	_ = 	snop  }
0x5: {  	_ = 	snop  }
0x6: {  	_ = 	snop  }
0x7: {  	_ = 	snop  }
__scs_overlays_trampoline_lowered:
0x8: {  	[smem:$0x3FAE] =	sst s0  }
0x9: {  	[smem:$0x3FAF] =	sst s1  }
0xa: {  	[smem:$0x3FB0] =	sst s2  }
0xb: {  	[smem:$0x3FB1] =	sst s3  }
0xc: {  	[smem:$0x3FB2] =	sst s4  }
0xd: {  	[smem:$0x3FB3] =	sst s5  }
0xe: {  	[smem:$0x3FB4] =	sst s6  }
0xf: {  	[smem:$0x3FB5] =	sst s7  }
0x10: {  	[smem:$0x3FB6] =	sst s8  }
0x11: {  	[smem:$0x3FB7] =	sst s9;
	s0 =	simm.s32 @!p0 $0x0  }
0x12: {  	s1 =	sld [smem:$0x3F9D];
	s0 =	simm.s32 @p0 $0x1  }
0x13: {  	[smem:$0x3FB8] =	sst s0;
	s0 =	simm.s32 @!p1 $0x0  }
0x14: {  	s2 =	sld [smem:$0x3F9C];
	s0 =	simm.s32 @p1 $0x1  }
0x15: {  	[smem:$0x3FB9] =	sst s0;
	s0 =	simm.s32 @!p2 $0x0  }
0x16: {  	s3 =	sld [smem:$0x3FDB];
	s0 =	simm.s32 @p2 $0x1  }
0x17: {  	s4 =	simm.s32 $0x1BF5;
	[smem:$0x3FBB] =	sst s0  }
0x18: {  	s0 =	sld [smem:$0x3F9E];
	_ =	swait.ge [sflag:s4], $0x0  }
0x19: {  	s7 =	sld [smem:$0x3F9F]  }
0x1a: {  	s8 =	sadd.s32 $0xFFFFE003, lr  }
0x1b: {  	s9 =	sadd.s32 $0xFFFFFEF7, lr;
	s5 =	simm.s32 $0xFFFFFFFF;
	p2 =	slt.u32 s8, $0xFFFFF086  }
0x1c: {  	p1 =	slt.u32 s9, $0xF7A;
	s5 =	simm.s32 @!p2 $0x0  }
0x1d: {  	s5 =	simm.s32 @p1 $0x1;
	p0 =	seq.s32 s7, s2  }
0x1e: {  	s7 =	smul.u32 @!p0 $0xF7A, s2;
	p2 =	seq.s32 @!p0 s5, $0x0  }
0x1f: {  	s9 =	smul.u32 $0xF7A, s1;
	s8 =	simm.s32 @!p0 $0x1BF5;
	p2 =	por !p2, p0  }
0x20: {  	[sflag:s8] =	ssyncset.s32 @!p0 $0xFFFFF086;
	s6 =	sadd.s32 @!p0 s3, s7;
	s7 =	simm.s32 @!p0 $0x108  }
0x21: {  	s3 =	sadd.s32 s3, s9;
	s6 =	sadd.s32 @!p0 $0x88, s6;
	s7 =	simm.s32 @p2 $0x1082  }
0x22: {  	[simem:s7], [sflag:s8] =	dma.local @!p0 [hbm:s6], $0xF7A  }
0x23: {  	s9 =	sor.u32 $0xD0000000, s2;
	s6 =	simm.s32 $0x108;
	_ =	swait.ge @!p0 [sflag:s8], $0x0  }
0x24: {  	s3 =	sadd.s32 $0x88, s3;
	s6 =	simm.s32 @!p1 $0x1082;
	[sflag:s4] =	ssyncset.s32 $0xFFFFF086  }
0x25: {  	[simem:s6], [sflag:s4] =	dma.local [hbm:s3], $0xF7A  }
0x26: {  	[smem:$0x3F9F] =	sst s1;
	(tag) =	ssettag s2;
	_ =	strace s9  }
0x27: {  	s1 =	sld [smem:$0x3FAF]  }
0x28: {  	s2 =	sld [smem:$0x3FB0]  }
0x29: {  	s4 =	sld [smem:$0x3FB2]  }
0x2a: {  	p0 =	seq.s32 s5, $0x0;
	s5 =	sld [smem:$0x3FB3]  }
0x2b: {  	s6 =	sld [smem:$0x3FB4]  }
0x2c: {  	s7 =	sld [smem:$0x3FB5]  }
0x2d: {  	s3 =	simm.s32 $0x108;
	s8 =	sld [smem:$0x3FB6]  }
0x2e: {  	s3 =	simm.s32 @!p0 $0x1082;
	s9 =	sld [smem:$0x3FB7]  }
0x2f: {  	lr =	sadd.s32 s0, s3;
	s0 =	sld [smem:$0x3FAE]  }
0x30: {  	s3 =	sld [smem:$0x3FB1]  }
0x31: {  	[smem:$0x3FBA] =	sst s10  }
0x32: {  	s10 =	sld [smem:$0x3FB8];
	_ =	sdelay $0x3  }
0x33: {  	p0 =	seq.s32 s10, $0x1;
	s10 =	sld [smem:$0x3FBA];
	_ =	sdelay $0x3  }
0x34: {  	[smem:$0x3FBA] =	sst s10  }
0x35: {  	s10 =	sld [smem:$0x3FB9];
	_ =	sdelay $0x3  }
0x36: {  	p1 =	seq.s32 s10, $0x1;
	s10 =	sld [smem:$0x3FBA];
	_ =	sdelay $0x3  }
0x37: {  	[smem:$0x3FBA] =	sst s10  }
0x38: {  	s10 =	sld [smem:$0x3FBB]  }
0x39: {  	_ = 	snop;
	(pc) =	sbr.ind lr, $3  }
0x3a: {  	_ = 	snop  }
0x3b: {  	_ = 	snop  }
0x3c: {  	p2 =	seq.s32 s10, $0x1;
	s10 =	sld [smem:$0x3FBA]  }
0x3d: {  	_ =	shalt  }
0x3e: {  	_ =	shalt  }
0x3f: {  	_ =	shalt  }
0x40: {  	_ =	shalt  }
0x41: {  	_ =	shalt  }
0x42: {  	_ =	shalt  }
0x43: {  	_ =	shalt  }
0x44: {  	_ =	shalt  }
0x45: {  	_ =	shalt  }
0x46: {  	_ =	shalt  }
0x47: {  	_ =	shalt  }
0x48: {  	_ =	shalt  }
0x49: {  	_ =	shalt  }
0x4a: {  	_ =	shalt  }
0x4b: {  	_ =	shalt  }
0x4c: {  	_ =	shalt  }
0x4d: {  	_ =	shalt  }
0x4e: {  	_ =	shalt  }
0x4f: {  	_ =	shalt  }
0x50: {  	_ =	shalt  }
0x51: {  	_ =	shalt  }
0x52: {  	_ =	shalt  }
0x53: {  	_ =	shalt  }
0x54: {  	_ =	shalt  }
0x55: {  	_ =	shalt  }
0x56: {  	_ =	shalt  }
0x57: {  	_ =	shalt  }
0x58: {  	_ =	shalt  }
0x59: {  	_ =	shalt  }
0x5a: {  	_ =	shalt  }
0x5b: {  	_ =	shalt  }
0x5c: {  	_ =	shalt  }
0x5d: {  	_ =	shalt  }
0x5e: {  	_ =	shalt  }
0x5f: {  	_ =	shalt  }
0x60: {  	_ =	shalt  }
0x61: {  	_ =	shalt  }
0x62: {  	_ =	shalt  }
0x63: {  	_ =	shalt  }
0x64: {  	_ =	shalt  }
0x65: {  	_ =	shalt  }
0x66: {  	_ =	shalt  }
0x67: {  	_ =	shalt  }
0x68: {  	_ =	shalt  }
0x69: {  	_ =	shalt  }
0x6a: {  	_ =	shalt  }
0x6b: {  	_ =	shalt  }
0x6c: {  	_ =	shalt  }
0x6d: {  	_ =	shalt  }
0x6e: {  	_ =	shalt  }
0x6f: {  	_ =	shalt  }
0x70: {  	_ =	shalt  }
0x71: {  	_ =	shalt  }
0x72: {  	_ =	shalt  }
0x73: {  	_ =	shalt  }
0x74: {  	_ =	shalt  }
0x75: {  	_ =	shalt  }
0x76: {  	_ =	shalt  }
0x77: {  	_ =	shalt  }
0x78: {  	_ =	shalt  }
0x79: {  	_ =	shalt  }
0x7a: {  	_ =	shalt  }
0x7b: {  	_ =	shalt  }
0x7c: {  	_ =	shalt  }
0x7d: {  	_ =	shalt  }
0x7e: {  	_ =	shalt  }
0x7f: {  	_ =	shalt  }
0x80: {  	_ =	shalt  }
0x81: {  	_ =	shalt  }
0x82: {  	_ =	shalt  }
0x83: {  	_ =	shalt  }
0x84: {  	_ =	shalt  }
0x85: {  	_ =	shalt  }
0x86: {  	_ =	shalt  }
0x87: {  	_ =	shalt  }
.Lfunc_end0:
.L_simem_size_0:
called_computation.1_lowered:
.L_overlay_start_0:
0x88: {  	s2 =	sld [smem:$0x3FD9]  }
0x89: {  	s3 =	sld [smem:$0x3FFE];
	_ =	sdelay $0x1  }
0x8a: {  	s1 =	srdreg.scid  }
0x8b: {  	s0 =	sand.u32 $0x1, s1  }
0x8c: {  	s17 =	sshll.u32 s0, $0xA;
	s2 =	sadd.s32 s3, s2  }
0x8d: {  	s2 =	sadd.s32 s2, s17  }
0x8e: {  	[smem:$0x3FC6] =	sst s2  }
0x8f: {  	_ = 	snop  }
0x90: {  	s2 =	sld [smem:$0x3FD0];
	(tm) =	ssettm $0x1  }
0x91: {  	s18 =	sld [smem:$0x3FFB];
	_ =	sdelay $0x3  }
0x92: {  	_ =	strace s18  }
0x93: {  	s3 =	sld [smem:$0x3FFC];
	_ =	sdelay $0x3  }
0x94: {  	_ =	strace s3  }
0x95: {  	s3 =	sld [smem:$0x3FFD];
	_ =	sdelay $0x3  }
0x96: {  	_ =	strace s3  }
0x97: {  	_ =	strace $0x8FFFFFFF  }
0x98: {  	s19 =	sld [smem:$0x3FDB];
	_ =	sdelay $0x1  }
0x99: {  	s4 =	simm.s32 $_scs_section_size  }
0x9a: {  	s5 =	simm.s32 $_size__tile_overlayer_lowered;
	s6 =	simm.s32 $_tile_overlayer_lowered  }
0x9b: {  	s22 =	simm.s32 $0x1BFF;
	s21 =	sshll.u32 s6, $0x1;
	s3 =	sadd.s32 s4, s19  }
0x9c: {  	s7 =	simm.s32 $0x0;
	s20 =	sshll.u32 s5, $0x1;
	s5 =	sadd.s32 s21, s3  }
0x9d: {  	[timem:s7], [sflag:s22] =	dma.local [hbm:s5], s20  }
0x9e: {  	_ =	swait.ge [sflag:s22], s20  }
0x9f: {  	s4 =	ssub.s32 $0x0, s20;
	[sflag:s22] =	ssyncset.done $0x0  }
0xa0: {  	[sflag:s22] =	ssyncadd.s32 s4;
	_ =	sdelay $0x1  }
0xa1: {  	s23 =	simm.s32 $0x1B8B  }
0xa2: {  	_ =	swait.ge [sflag:s23], $0x1  }
0xa3: {  	[sflag:s23] =	ssyncset.done $0x0  }
0xa4: {  	s25 =	simm.s32 $0x1B8E;
	s24 =	sld [smem:$0x3FFE];
	[sflag:s23] =	ssyncadd.s32 $0xFFFFFFFF  }
0xa5: {  	s26 =	simm.s32 $execute0_lowered;
	[smem:$0x3FD2] =	sst s25  }
0xa6: {  	s5 =	sshll.u32 s26, $0x1;
	_ =	strace $0x80000046;
	[dreg:$0x1] =	wrdreg $0xFFFFFFFF  }
0xa7: {  	s28 =	simm.s32 $_size_execute0_lowered;
	s3 =	sadd.s32 s3, s5;
	[dreg:$0x0] =	wrdreg $0x0  }
0xa8: {  	s5 =	sshll.u32 s28, $0x1;
	[dreg:$0x2] =	wrdreg s3  }
0xa9: {  	[dreg:$0x3] =	wrdreg s5  }
0xaa: {  	[dreg:$0x4] =	wrdreg $0xC0  }
0xab: {  	_ =	task [dreg:s7], $0x5FFFF  }
0xac: {  	[dreg:$0x1] =	wrdreg $0xFFFFFFFF  }
0xad: {  	[dreg:$0x0] =	wrdreg $0x60  }
0xae: {  	[dreg:$0x2] =	wrdreg s24  }
0xaf: {  	[dreg:$0x3] =	wrdreg s2  }
0xb0: {  	[dreg:$0x4] =	wrdreg $0x9  }
0xb1: {  	_ =	task.clear_ibuf [dreg:s7], $0x5FFFF;
	_ =	strace $0x90000046  }
0xb2: {  	s29 =	simm.s32 $0x9;
	_ =	strace $0x80000048  }
0xb3: {  	_ =	swait.ge [sflag:s29], $0x1  }
0xb4: {  	[sflag:s29] =	ssyncadd.s32 $0xFFFFFFFF  }
0xb5: {  	_ =	strace $0x90000048  }
0xb6: {  	_ =	sfence  }
0xb7: {  	s30 =	sld [smem:$0x0];
	_ =	sdelay $0x2  }
0xb8: {  	s31 =	sshll.u32 s1, $0xD;
	s1 =	sshrl.u32 s1, $0x2  }
0xb9: {  	s3 =	sand.u32 $0x4000, s31;
	s1 =	sadd.s32 s1, s30  }
0xba: {  	s0 =	sor.u32 s3, s0;
	s1 =	sshll.u32 s1, $0x11  }
0xbb: {  	s0 =	sor.u32 s1, s0  }
0xbc: {  	s0 =	sadd.s32 $0x8F2B, s0  }
0xbd: {  	[sflag:s0] =	ssyncadd.remote.s32 $0x1  }
0xbe: {  	_ =	sfence.sel $0xFFFF  }
0xbf: {  	[dreg:$0x0] =	wrdreg $0xFFFFFFFF;
	(pc) =	sbr.abs _section_cstart, $3  }
0xc0: {  	[dreg:$0x1] =	wrdreg $0xFFFFFFFF  }
0xc1: {  	_ =	task.clear_ibuf [dreg:s7], $0x2FFFF;
	_ =	strace $0x9FFFFFFF  }
0xc2: {  	(tm) =	ssettm $0x7FFFFFFF  }
0xc3: {  	_ =	shalt  }
tec
execute0_lowered:
.L_overlay_start_1:
0x0: {  	(tag) =	ssettag $0x1  }
0x1: {  	s0 =	rddreg [dreg:$0x0]  }
0x2: {  	s1 =	rddreg [dreg:$0x1]  }
0x3: {  	s2 =	simm.s32 $0x0;
	s3 =	srdreg.scid;
	s11 =	stileid.u32  }
0x4: {  	s28 =	simm.s32 $0x3;
	s29 =	simm.s32 $0x4;
	s30 =	simm.s32 $0x5  }
0x5: {  	s31 =	simm.s32 $0x6;
	[smem:$0x7FF] =	sst s2;
	s4 =	sand.u32 $0x1, s3  }
0x6: {  	s20 =	sshll.u32 s11, $0x1;
	s7 =	sadd.s32 $0x800, s0;
	s11 =	smul.u32 $0x32000, s11  }
0x7: {  	s3 =	sadd.s32 $0xFA6C00, s0;
	s5 =	sor.u32 s4, s20;
	s12 =	smul.u32 $0x19000, s4  }
0x8: {  	s0 =	ssub.s32 $0xFFFFF990, s0;
	s6 =	ssub.s32 $0x2, s4;
	s8 =	smul.u32 $0x19000, s5  }
0x9: {  	_ =	strace $0x80000047;
	s9 =	sshrl.u32 s6, $0x1;
	s5 =	smul.u32 $0x64000, s5  }
0xa: {  	s9 =	ssub.s32 s6, s9;
	s26 =	sadd.s32 s12, s11;
	s10 =	sor.u32 $0x640, s8  }
0xb: {  	s21 =	sshrl.u32 s8, $0x3;
	s6 =	sadd.s32 s1, s5;
	s13 =	sadd.s32 $0x1F40, s26  }
0xc: {  	s9 =	smax.u32 s9, $0x1;
	s15 =	sadd.s32 $0x2BC0, s26;
	s16 =	sadd.s32 $0x2580, s26  }
0xd: {  	s8 =	sshll.u32 s26, $0x2;
	s22 =	sshrl.u32 s10, $0x3;
	s4 =	sadd.s32 s7, s21  }
0xe: {  	s25 =	sshll.u32 s10, $0x2;
	[dreg:$0x7] =	wrdreg s9;
	s19 =	sadd.s32 $0x60E00, s6  }
0xf: {  	s20 =	sshll.u32 s13, $0x2;
	s21 =	sadd.s32 $0x1900, s26;
	s17 =	sshrl.u32 s15, $0x3  }
0x10: {  	s18 =	sshrl.u32 s16, $0x3;
	s26 =	sadd.s32 s8, s1;
	s23 =	sadd.s32 s7, s22  }
0x11: {  	s24 =	sadd.s32 $0x190, s4;
	s5 =	sadd.s32 s1, s25;
	[dreg:$0x8] =	wrdreg s19  }
0x12: {  	s12 =	sadd.s32 $0x258, s4;
	s9 =	sadd.s32 s20, s1;
	[dreg:$0x3] =	wrdreg s23  }
0x13: {  	s22 =	sadd.s32 $0x62700, s6;
	s16 =	ssub.s32 s0, s17;
	[dreg:$0x4] =	wrdreg s24  }
0x14: {  	s17 =	ssub.s32 s0, s18;
	s25 =	sshrl.u32 s21, $0x3;
	[dreg:$0x5] =	wrdreg s5  }
0x15: {  	s20 =	sadd.s32 $0x4B00, s26;
	s0 =	simm.s32 $0x0;
	[dreg:$0x6] =	wrdreg s12  }
0x16: {  	s12 =	sadd.s32 $0x3138, s4;
	[dreg:$0x9] =	wrdreg s22;
	s14 =	sadd.s32 $0xFFFFCE00, s9  }
0x17: {  	s23 =	sshll.u32 s21, $0x2;
	s24 =	sshrl.u32 s13, $0x3;
	s19 =	sadd.s32 s25, s7  }
0x18: {  	s21 =	sadd.s32 $0x3200, s26;
	s22 =	simm.s32 $0x640;
	s25 =	simm.s32 $0x2  }
0x19: {  	s26 =	simm.s32 $0xD480;
	s9 =	sadd.s32 s23, s1;
	s10 =	sadd.s32 s24, s7  }
0x1a: {  	s23 =	simm.s32 $0x1;
	s24 =	simm.s32 $0xC80;
	s15 =	sadd.s32 $0xFFFFCE00, s9  }
.LBB2_1:
0x1b: {  	[tilespmem:s2], [sflag:$0x1] =	stream.linear.gather [hbm4b:s4+s2], $0x640, $0x38;
	[tilespmem:$0x19C80] =	vst v63  }
0x1c: {  	s1 =	rddreg [dreg:$0x3]  }
0x1d: {  	[tilespmem:s22], [sflag:$0x2] =	stream.linear.gather [hbm4b:s1+s2], $0x640, $0x38;
	[tilespmem:$0x19C80] =	vst v63  }
0x1e: {  	_ =	swait.ge [sflag:s23], $0x640  }
0x1f: {  	[sflag:s23] =	ssyncset.done $0x0  }
0x20: {  	[sflag:s23] =	ssyncadd.s32 $0xFFFFF9C0  }
0x21: {  	[tilespmem:s24], [sflag:$0x3] =	stream.indirect.gather [hbm4b:s3+s22], $0x20, s2, s22, $0xb8;
	[tilespmem:$0x19C80] =	vst v63  }
0x22: {  	_ =	swait.ge [sflag:s25], $0x640  }
0x23: {  	[sflag:s25] =	ssyncset.done $0x0  }
0x24: {  	[sflag:s25] =	ssyncadd.s32 $0xFFFFF9C0  }
0x25: {  	[tilespmem:s26], [sflag:$0x4] =	stream.indirect.gather [hbm4b:s3+s22], $0x20, s22, s22, $0xb8;
	[tilespmem:$0x19C80] =	vst v63  }
0x26: {  	_ =	swait.ge [sflag:s28], $0xC800  }
0x27: {  	[sflag:s28] =	ssyncset.done $0x0  }
0x28: {  	[sflag:s28] =	ssyncadd.s32 $0xFFFF3800  }
0x29: {  	[hbm4b:s6+s2] =	stream.linear.scatter [tilespmem:s24], [sflag:$0x5], $0xC800, $0x38;
	[tilespmem:$0x19C80] =	vst v63  }
0x2a: {  	s8 =	rddreg [dreg:$0x4]  }
0x2b: {  	[tilespmem:s2], [sflag:$0x1] =	stream.linear.gather [hbm4b:s8+s2], $0x640, $0x38;
	[tilespmem:$0x19C80] =	vst v63  }
0x2c: {  	_ =	swait.ge [sflag:s29], $0xC800  }
0x2d: {  	[sflag:s29] =	ssyncset.done $0x0  }
0x2e: {  	s9 =	rddreg [dreg:$0x5];
	[sflag:s29] =	ssyncadd.s32 $0xFFFF3800  }
0x2f: {  	[hbm4b:s9+s2] =	stream.linear.scatter [tilespmem:s26], [sflag:$0x6], $0xC800, $0x38;
	[tilespmem:$0x19C80] =	vst v63  }
0x30: {  	s11 =	rddreg [dreg:$0x6]  }
0x31: {  	[tilespmem:s22], [sflag:$0x2] =	stream.linear.gather [hbm4b:s11+s2], $0x640, $0x38;
	[tilespmem:$0x19C80] =	vst v63  }
0x32: {  	_ =	swait.ge [sflag:s23], $0x640  }
0x33: {  	[sflag:s23] =	ssyncset.done $0x0  }
0x34: {  	[sflag:s23] =	ssyncadd.s32 $0xFFFFF9C0  }
0x35: {  	_ =	swait.ge [sflag:s30], $0xC800  }
0x36: {  	[sflag:s30] =	ssyncset.done $0x0  }
0x37: {  	[sflag:s30] =	ssyncadd.s32 $0xFFFF3800  }
0x38: {  	[tilespmem:s24], [sflag:$0x3] =	stream.indirect.gather [hbm4b:s3+s22], $0x20, s2, s22, $0xb8;
	[tilespmem:$0x19C80] =	vst v63  }
0x39: {  	_ =	swait.ge [sflag:s25], $0x640  }
0x3a: {  	[sflag:s25] =	ssyncset.done $0x0  }
0x3b: {  	[sflag:s25] =	ssyncadd.s32 $0xFFFFF9C0  }
0x3c: {  	_ =	swait.ge [sflag:s31], $0xC800  }
0x3d: {  	[sflag:s31] =	ssyncset.done $0x0  }
0x3e: {  	[sflag:s31] =	ssyncadd.s32 $0xFFFF3800  }
0x3f: {  	[tilespmem:s26], [sflag:$0x4] =	stream.indirect.gather [hbm4b:s3+s22], $0x20, s22, s22, $0xb8;
	[tilespmem:$0x19C80] =	vst v63  }
0x40: {  	_ =	swait.ge [sflag:s28], $0xC800  }
0x41: {  	[sflag:s28] =	ssyncset.done $0x0  }
0x42: {  	s13 =	sadd.s32 $0x0, s21;
	[sflag:s28] =	ssyncadd.s32 $0xFFFF3800  }
0x43: {  	[hbm4b:s13+s2] =	stream.linear.scatter [tilespmem:s24], [sflag:$0x5], $0xC800, $0x38;
	[tilespmem:$0x19C80] =	vst v63  }
0x44: {  	_ = 	snop  }
0x45: {  	[tilespmem:s2], [sflag:$0x1] =	stream.linear.gather [hbm4b:s19+s2], $0x640, $0x38;
	[tilespmem:$0x19C80] =	vst v63  }
0x46: {  	_ =	swait.ge [sflag:s29], $0xC800  }
0x47: {  	s18 =	sadd.s32 $0x0, s20;
	s5 =	sadd.s32 $0xFFFFFE70, s16;
	[sflag:s29] =	ssyncset.done $0x0  }
0x48: {  	s7 =	sadd.s32 $0xFFFFFE70, s17;
	s1 =	simm.s32 $0x3200;
	[sflag:s29] =	ssyncadd.s32 $0xFFFF3800  }
0x49: {  	[hbm4b:s18+s2] =	stream.linear.scatter [tilespmem:s26], [sflag:$0x6], $0xC800, $0x38;
	[tilespmem:$0x19C80] =	vst v63  }
0x4a: {  	s8 =	sadd.s32 $0x190, s19;
	s9 =	sadd.s32 $0x190, s10;
	s18 =	smov.u32 s10  }
.LBB2_2:
0x4b: {  	[tilespmem:s22], [sflag:$0x2] =	stream.linear.gather [hbm4b:s18+s2], $0x640, $0x38;
	[tilespmem:$0x19C80] =	vst v63  }
0x4c: {  	s11 =	smov.u32 s1;
	s1 =	sadd.s32 $0x3200, s1;
	_ =	swait.ge [sflag:s23], $0x640  }
0x4d: {  	s18 =	smov.u32 s9;
	p0 =	sne.s32 s1, $0x5AA00;
	[sflag:s23] =	ssyncset.done $0x0  }
0x4e: {  	[sflag:s23] =	ssyncadd.s32 $0xFFFFF9C0  }
0x4f: {  	_ =	swait.ge [sflag:s30], $0xC800  }
0x50: {  	[sflag:s30] =	ssyncset.done $0x0  }
0x51: {  	[sflag:s30] =	ssyncadd.s32 $0xFFFF3800  }
0x52: {  	[tilespmem:s24], [sflag:$0x3] =	stream.indirect.gather [hbm4b:s3+s22], $0x20, s2, s22, $0xb8;
	[tilespmem:$0x19C80] =	vst v63  }
0x53: {  	_ =	swait.ge [sflag:s25], $0x640  }
0x54: {  	[sflag:s25] =	ssyncset.done $0x0  }
0x55: {  	[sflag:s25] =	ssyncadd.s32 $0xFFFFF9C0  }
0x56: {  	_ =	swait.ge [sflag:s31], $0xC800  }
0x57: {  	[sflag:s31] =	ssyncset.done $0x0  }
0x58: {  	[sflag:s31] =	ssyncadd.s32 $0xFFFF3800  }
0x59: {  	[tilespmem:s26], [sflag:$0x4] =	stream.indirect.gather [hbm4b:s3+s22], $0x20, s22, s22, $0xb8;
	[tilespmem:$0x19C80] =	vst v63  }
0x5a: {  	_ =	swait.ge [sflag:s28], $0xC800  }
0x5b: {  	[sflag:s28] =	ssyncset.done $0x0  }
0x5c: {  	s13 =	sadd.s32 s11, s21;
	[sflag:s28] =	ssyncadd.s32 $0xFFFF3800  }
0x5d: {  	[hbm4b:s13+s2] =	stream.linear.scatter [tilespmem:s24], [sflag:$0x5], $0xC800, $0x38;
	[tilespmem:$0x19C80] =	vst v63  }
0x5e: {  	_ = 	snop  }
0x5f: {  	[tilespmem:s2], [sflag:$0x1] =	stream.linear.gather [hbm4b:s8+s2], $0x640, $0x38;
	[tilespmem:$0x19C80] =	vst v63  }
.Ltmp0:
0x60: {  	_ =	swait.ge [sflag:s29], $0xC800;
	(pc) =	sbr.rel @p0 .LBB2_2-.Ltmp0, $4  }
0x61: {  	[sflag:s29] =	ssyncset.done $0x0  }
0x62: {  	s11 =	sadd.s32 s11, s20;
	s8 =	sadd.s32 $0x190, s8;
	[sflag:s29] =	ssyncadd.s32 $0xFFFF3800  }
0x63: {  	[hbm4b:s11+s2] =	stream.linear.scatter [tilespmem:s26], [sflag:$0x6], $0xC800, $0x38;
	[tilespmem:$0x19C80] =	vst v63  }
0x64: {  	s5 =	sadd.s32 $0xFFFFFE70, s5;
	s7 =	sadd.s32 $0xFFFFFE70, s7;
	s9 =	sadd.s32 $0x190, s9  }
0x65: {  	[tilespmem:s22], [sflag:$0x2] =	stream.linear.gather [hbm4b:s18+s2], $0x640, $0x38;
	[tilespmem:$0x19C80] =	vst v63  }
0x66: {  	_ =	swait.ge [sflag:s23], $0x640  }
0x67: {  	[sflag:s23] =	ssyncset.done $0x0  }
0x68: {  	[sflag:s23] =	ssyncadd.s32 $0xFFFFF9C0  }
0x69: {  	_ =	swait.ge [sflag:s30], $0xC800  }
0x6a: {  	[sflag:s30] =	ssyncset.done $0x0  }
0x6b: {  	[sflag:s30] =	ssyncadd.s32 $0xFFFF3800  }
0x6c: {  	[tilespmem:s24], [sflag:$0x3] =	stream.indirect.gather [hbm4b:s3+s22], $0x20, s2, s22, $0xb8;
	[tilespmem:$0x19C80] =	vst v63  }
0x6d: {  	_ =	swait.ge [sflag:s25], $0x640  }
0x6e: {  	[sflag:s25] =	ssyncset.done $0x0  }
0x6f: {  	[sflag:s25] =	ssyncadd.s32 $0xFFFFF9C0  }
0x70: {  	_ =	swait.ge [sflag:s31], $0xC800  }
0x71: {  	[sflag:s31] =	ssyncset.done $0x0  }
0x72: {  	[sflag:s31] =	ssyncadd.s32 $0xFFFF3800  }
0x73: {  	[tilespmem:s26], [sflag:$0x4] =	stream.indirect.gather [hbm4b:s3+s22], $0x20, s22, s22, $0xb8;
	[tilespmem:$0x19C80] =	vst v63  }
0x74: {  	_ =	swait.ge [sflag:s28], $0xC800  }
0x75: {  	[sflag:s28] =	ssyncset.done $0x0  }
0x76: {  	s8 =	sadd.s32 s1, s15;
	[sflag:s28] =	ssyncadd.s32 $0xFFFF3800  }
0x77: {  	[hbm4b:s8+s2] =	stream.linear.scatter [tilespmem:s24], [sflag:$0x5], $0xC800, $0x38;
	[tilespmem:$0x19C80] =	vst v63  }
0x78: {  	s7 =	ssub.s32 $0x0, s7  }
0x79: {  	[tilespmem:s2], [sflag:$0x1] =	stream.linear.gather [hbm4b:s7+s2], $0x640, $0x38;
	[tilespmem:$0x19C80] =	vst v63  }
0x7a: {  	_ =	swait.ge [sflag:s29], $0xC800  }
0x7b: {  	[sflag:s29] =	ssyncset.done $0x0  }
0x7c: {  	s8 =	sadd.s32 s1, s14;
	[sflag:s29] =	ssyncadd.s32 $0xFFFF3800  }
0x7d: {  	[hbm4b:s8+s2] =	stream.linear.scatter [tilespmem:s26], [sflag:$0x6], $0xC800, $0x38;
	[tilespmem:$0x19C80] =	vst v63  }
0x7e: {  	s9 =	ssub.s32 $0x0, s5  }
0x7f: {  	[tilespmem:s22], [sflag:$0x2] =	stream.linear.gather [hbm4b:s9+s2], $0x640, $0x38;
	[tilespmem:$0x19C80] =	vst v63  }
0x80: {  	_ =	swait.ge [sflag:s23], $0x640  }
0x81: {  	[sflag:s23] =	ssyncset.done $0x0  }
0x82: {  	[sflag:s23] =	ssyncadd.s32 $0xFFFFF9C0  }
0x83: {  	_ =	swait.ge [sflag:s30], $0xC800  }
0x84: {  	[sflag:s30] =	ssyncset.done $0x0  }
0x85: {  	[sflag:s30] =	ssyncadd.s32 $0xFFFF3800  }
0x86: {  	[tilespmem:s24], [sflag:$0x3] =	stream.indirect.gather [hbm4b:s3+s22], $0x20, s2, s22, $0xb8;
	[tilespmem:$0x19C80] =	vst v63  }
0x87: {  	_ =	swait.ge [sflag:s25], $0x640  }
0x88: {  	[sflag:s25] =	ssyncset.done $0x0  }
0x89: {  	[sflag:s25] =	ssyncadd.s32 $0xFFFFF9C0  }
0x8a: {  	_ =	swait.ge [sflag:s31], $0xC800  }
0x8b: {  	[sflag:s31] =	ssyncset.done $0x0  }
0x8c: {  	[sflag:s31] =	ssyncadd.s32 $0xFFFF3800  }
0x8d: {  	[tilespmem:s26], [sflag:$0x4] =	stream.indirect.gather [hbm4b:s3+s22], $0x20, s22, s22, $0xb8;
	[tilespmem:$0x19C80] =	vst v63  }
0x8e: {  	_ =	swait.ge [sflag:s28], $0xC800  }
0x8f: {  	[sflag:s28] =	ssyncset.done $0x0  }
0x90: {  	s11 =	rddreg [dreg:$0x8];
	[sflag:s28] =	ssyncadd.s32 $0xFFFF3800  }
0x91: {  	[hbm4b:s11+s2] =	stream.linear.scatter [tilespmem:s24], [sflag:$0x5], $0xC800, $0x38;
	[tilespmem:$0x19C80] =	vst v63  }
0x92: {  	_ = 	snop  }
0x93: {  	[tilespmem:s2], [sflag:$0x1] =	stream.linear.gather [hbm4b:s12+s2], $0x640, $0x38;
	[tilespmem:$0x19C80] =	vst v63  }
0x94: {  	_ =	swait.ge [sflag:s29], $0xC800  }
0x95: {  	[sflag:s29] =	ssyncset.done $0x0  }
0x96: {  	s13 =	rddreg [dreg:$0x9];
	[sflag:s29] =	ssyncadd.s32 $0xFFFF3800  }
0x97: {  	[hbm4b:s13+s2] =	stream.linear.scatter [tilespmem:s26], [sflag:$0x6], $0xC800, $0x38;
	[tilespmem:$0x19C80] =	vst v63  }
0x98: {  	_ = 	snop  }
0x99: {  	[tilespmem:s22], [sflag:$0x2] =	stream.linear.gather [hbm4b:s12+s2], $0x640, $0x38;
	[tilespmem:$0x19C80] =	vst v63  }
0x9a: {  	_ =	swait.ge [sflag:s23], $0x640  }
0x9b: {  	[sflag:s23] =	ssyncset.done $0x0  }
0x9c: {  	[sflag:s23] =	ssyncadd.s32 $0xFFFFF9C0  }
0x9d: {  	_ =	swait.ge [sflag:s30], $0xC800  }
0x9e: {  	[sflag:s30] =	ssyncset.done $0x0  }
0x9f: {  	[sflag:s30] =	ssyncadd.s32 $0xFFFF3800  }
0xa0: {  	_ =	swait.ge [sflag:s25], $0x640  }
0xa1: {  	[sflag:s25] =	ssyncset.done $0x0  }
0xa2: {  	[sflag:s25] =	ssyncadd.s32 $0xFFFFF9C0  }
0xa3: {  	_ =	swait.ge [sflag:s31], $0xC800  }
0xa4: {  	s0 =	sadd.s32 $0x1, s0;
	s18 =	rddreg [dreg:$0x7]  }
0xa5: {  	p0 =	sne.s32 s0, s18  }
.Ltmp1:
0xa6: {  	_ = 	snop;
	(pc) =	sbr.rel @p0 .LBB2_1-.Ltmp1, $3  }
0xa7: {  	_ =	sdelay $0x1  }
0xa8: {  	[sflag:s31] =	ssyncset.done $0x0  }
0xa9: {  	[sflag:s31] =	ssyncadd.s32 $0xFFFF3800  }
0xaa: {  	_ =	sfence.sel $0x180000  }
0xab: {  	[bflag:$0x0] =	sbarrier.arrive $0xFFFF  }
0xac: {  	_ =	strace $0x90000047  }
0xad: {  	s0 =	stileid.u32;
	[bflag:$0x2] =	sbarrier.arrive $0xFFFF  }
0xae: {  	p0 =	sne.s32 s0, $0x0;
	s0 =	rddreg [dreg:$0x2]  }
0xaf: {  	s0 =	sadd.s32 @!p0 $0x100000, s0  }
0xb0: {  	[sflag:s0] =	ssyncadd.tile.s32 @!p0 $0x1;
	_ =	shalt  }
.Lfunc_end2:
_tile_overlayer_lowered:
.L_overlay_start_2:
0xb1: {  	(tag) =	ssettag $0x2  }
0xb2: {  	s0 =	rddreg [dreg:$0x0];
	s2 =	stileid.u32  }
0xb3: {  	s1 =	rddreg [dreg:$0x1];
	p0 =	sne.s32 s2, $0x0  }
0xb4: {  	s3 =	rddreg [dreg:$0x2];
	[bflag:$0x3] =	sbarrier.arrive $0xFFFF;
	s2 =	simm.s32 @!p0 $0x1C07  }
0xb5: {  	[timem:s3], [sflag:s2] =	dma.local @!p0 [hbm:s0], s1  }
0xb6: {  	s0 =	simm.s32 @!p0 $0x7  }
0xb7: {  	_ =	swait.ge @!p0 [sflag:s0], s1  }
0xb8: {  	s1 =	ssub.s32 @!p0 $0x0, s1;
	[sflag:s0] =	ssyncset.done @!p0 $0x0  }
0xb9: {  	[sflag:s0] =	ssyncadd.s32 @!p0 s1  }
0xba: {  	[bflag:$0x3] =	sbarrier.arrive $0xFFFF  }
0xbb: {  	_ =	shalt  }

// kernel: sparse-core-data-format-call.cloned.1.call-start
scs
called_computation_lowered:
.L_overlay_start_0:
0x0: {  	s2 =	sld [smem:$0x3FD9]  }
0x1: {  	s3 =	sld [smem:$0x3FFE];
	_ =	sdelay $0x1  }
0x2: {  	s1 =	srdreg.scid  }
0x3: {  	s0 =	sand.u32 $0x1, s1  }
0x4: {  	s18 =	sshll.u32 s0, $0xA;
	s2 =	sadd.s32 s3, s2  }
0x5: {  	s2 =	sadd.s32 s2, s18  }
0x6: {  	[smem:$0x3FC6] =	sst s2  }
0x7: {  	_ = 	snop  }
0x8: {  	s2 =	sld [smem:$0x3FD0];
	(tm) =	ssettm $0x1  }
0x9: {  	s19 =	sld [smem:$0x3FFB];
	_ =	sdelay $0x3  }
0xa: {  	_ =	strace s19  }
0xb: {  	s3 =	sld [smem:$0x3FFC];
	_ =	sdelay $0x3  }
0xc: {  	_ =	strace s3  }
0xd: {  	s3 =	sld [smem:$0x3FFD];
	_ =	sdelay $0x3  }
0xe: {  	_ =	strace s3  }
0xf: {  	_ =	strace $0x8FFFFFFF  }
0x10: {  	s20 =	sld [smem:$0x3FDB];
	_ =	sdelay $0x1  }
0x11: {  	s4 =	simm.s32 $_scs_section_size  }
0x12: {  	s5 =	simm.s32 $_size__tile_overlayer_lowered;
	s6 =	simm.s32 $_tile_overlayer_lowered  }
0x13: {  	s23 =	simm.s32 $0x1BFF;
	s22 =	sshll.u32 s6, $0x1;
	s3 =	sadd.s32 s4, s20  }
0x14: {  	s7 =	simm.s32 $0x0;
	s21 =	sshll.u32 s5, $0x1;
	s5 =	sadd.s32 s22, s3  }
0x15: {  	[timem:s7], [sflag:s23] =	dma.local [hbm:s5], s21  }
0x16: {  	_ =	swait.ge [sflag:s23], s21  }
0x17: {  	s4 =	ssub.s32 $0x0, s21;
	[sflag:s23] =	ssyncset.done $0x0  }
0x18: {  	[sflag:s23] =	ssyncadd.s32 s4;
	_ =	sdelay $0x1  }
0x19: {  	s24 =	simm.s32 $0x1B8B  }
0x1a: {  	_ =	swait.ge [sflag:s24], $0x1  }
0x1b: {  	[sflag:s24] =	ssyncset.done $0x0  }
0x1c: {  	s26 =	simm.s32 $0x1B8E;
	s25 =	sld [smem:$0x3FFE];
	[sflag:s24] =	ssyncadd.s32 $0xFFFFFFFF  }
0x1d: {  	s27 =	simm.s32 $execute0_lowered;
	[smem:$0x3FD2] =	sst s26  }
0x1e: {  	s5 =	sshll.u32 s27, $0x1;
	_ =	strace $0x80000049;
	[dreg:$0x1] =	wrdreg $0xFFFFFFFF  }
0x1f: {  	s28 =	simm.s32 $_size_execute0_lowered;
	s3 =	sadd.s32 s3, s5;
	[dreg:$0x0] =	wrdreg $0x0  }
0x20: {  	s5 =	sshll.u32 s28, $0x1;
	[dreg:$0x2] =	wrdreg s3  }
0x21: {  	[dreg:$0x3] =	wrdreg s5  }
0x22: {  	[dreg:$0x4] =	wrdreg $0xC0  }
0x23: {  	_ =	task [dreg:s7], $0x5FFFF  }
0x24: {  	[dreg:$0x1] =	wrdreg $0xFFFFFFFF  }
0x25: {  	[dreg:$0x0] =	wrdreg $0x60  }
0x26: {  	[dreg:$0x2] =	wrdreg s25  }
0x27: {  	[dreg:$0x3] =	wrdreg s2  }
0x28: {  	[dreg:$0x4] =	wrdreg $0x9  }
0x29: {  	_ =	task.clear_ibuf [dreg:s7], $0x5FFFF;
	_ =	strace $0x90000049  }
0x2a: {  	s29 =	simm.s32 $0x9;
	_ =	strace $0x8000004B  }
0x2b: {  	_ =	swait.ge [sflag:s29], $0x1  }
0x2c: {  	[sflag:s29] =	ssyncadd.s32 $0xFFFFFFFF  }
0x2d: {  	_ =	strace $0x9000004B  }
0x2e: {  	_ =	sfence  }
0x2f: {  	s30 =	sld [smem:$0x0];
	_ =	sdelay $0x2  }
0x30: {  	s31 =	sshll.u32 s1, $0xD;
	s1 =	sshrl.u32 s1, $0x2  }
0x31: {  	s3 =	sand.u32 $0x4000, s31;
	s1 =	sadd.s32 s1, s30  }
0x32: {  	s0 =	sor.u32 s3, s0;
	s1 =	sshll.u32 s1, $0x11  }
0x33: {  	s0 =	sor.u32 s1, s0  }
0x34: {  	s0 =	sadd.s32 $0x8F2B, s0  }
0x35: {  	[sflag:s0] =	ssyncadd.remote.s32 $0x1  }
0x36: {  	_ =	sfence.sel $0xFFFF  }
0x37: {  	[dreg:$0x0] =	wrdreg $0xFFFFFFFF;
	(pc) =	sbr.abs _section_cstart, $3  }
0x38: {  	[dreg:$0x1] =	wrdreg $0xFFFFFFFF  }
0x39: {  	_ =	task.clear_ibuf [dreg:s7], $0x2FFFF;
	_ =	strace $0x9FFFFFFF  }
0x3a: {  	(tm) =	ssettm $0x7FFFFFFF  }
0x3b: {  	_ =	shalt  }
tec
execute0_lowered:
.L_overlay_start_1:
0x0: {  	(tag) =	ssettag $0x1  }
0x1: {  	s0 =	srdreg.scid  }
0x2: {  	s1 =	sshll.u32 s0, $0x4  }
0x3: {  	s0 =	stileid.u32;
	s1 =	sand.u32 $0x10, s1  }
0x4: {  	s1 =	sor.u32 s0, s1  }
0x5: {  	s6 =	rddreg [dreg:$0x0];
	s4 =	simm.s32 $0x1;
	s2 =	sshll.u32 s1, $0x7  }
0x6: {  	s7 =	simm.s32 $0x2;
	s12 =	simm.s32 $0x0;
	s1 =	ssub.s32 $0x4000, s2  }
0x7: {  	s8 =	simm.s32 $0x20000;
	s13 =	simm.s32 $0x0;
	s3 =	sand.u32 $0xF80, s1  }
0x8: {  	s9 =	simm.s32 $0x0;
	s5 =	sshrl.u32 s1, $0xC;
	p0 =	sne.s32 s3, $0x0  }
.Ltmp0:
0x9: {  	s1 =	rddreg [dreg:$0x2];
	s4 =	simm.s32 @!p0 $0x0;
	(pc) =	sbr.rel .LBB1_1-.Ltmp0, $4  }
0xa: {  	s11 =	simm.s32 $0x0;
	s3 =	rddreg [dreg:$0x1];
	s5 =	sadd.s32 s4, s5  }
0xb: {  	_ =	strace $0x8000004A;
	s4 =	simm.s32 $0x1;
	s5 =	smul.u32 $0xC8, s5  }
0xc: {  	s6 =	sadd.s32 $0x800, s6;
	s10 =	smov.u32 s2;
	[sflag:s4] =	ssyncpa.u1 $0x0  }
0xd: {  	p0 =	por $0x0, $0x0;
	[sflag:s7] =	ssyncpa.u1 $0x0;
	s7 =	sor.u32 $0x1, s5  }
.LBB1_4:
0xe: {  	s16 =	sshll.u32 s13, $0x3;
	s17 =	sand.u32 $0x78, s13  }
0xf: {  	s30 =	sand.u32 $0xF800, s13;
	s12 =	sshll.u32 s12, $0x10;
	s16 =	sand.u32 $0x3C00, s16  }
0x10: {  	s31 =	sand.u32 $0x7, s13;
	s16 =	sor.u32 s17, s16;
	s17 =	sadd.s32 s3, s30  }
0x11: {  	s13 =	sshll.u32 s31, $0x12;
	s16 =	sshrl.u32 s16, $0x3;
	s12 =	sadd.s32 s12, s17  }
0x12: {  	[tilespmem:s15+$0x0 ss:$0x81] =	vst.msk $0xffff, v0;
	s13 =	sor.u32 $0x400, s13;
	s12 =	sadd.s32 s16, s12  }
0x13: {  	[hbm4b:s12+s13] =	stream.strided.scatter [tilespmem:s14], [sflag:$0x2], $0x1000, s8, s13, $0x20;
	[tilespmem:$0x4040] =	vst v63  }
.LBB1_5:
0x14: {  	s14 =	sadd.s32 $0x1, s9  }
0x15: {  	s12 =	sadd.s32 $0x1000, s10;
	s16 =	smov.u32 s10;
	p2 =	sgt.s32 s14, $0xC7  }
0x16: {  	s16 =	smov.u32 @p2 s12  }
0x17: {  	s14 =	simm.s32 @p2 $0x0;
	p2 =	sgt.s32 s16, $0x3FFF  }
0x18: {  	s16 =	smov.u32 @p2 s2;
	p2 =	sne.s32 s11, s7  }
.Ltmp1:
0x19: {  	p1 =	slt.u32 s11, $0x2;
	(pc) =	sbr.rel @!p2 .LBB1_6-.Ltmp1, $4  }
0x1a: {  	s15 =	simm.s32 @!p1 $0x2  }
0x1b: {  	s13 =	smov.u32 s10;
	p0 =	por !p0, !p0;
	_ =	swait.ge @!p1 [sflag:s15], $0x1000  }
0x1c: {  	s12 =	smov.u32 s9;
	[sflag:s15] =	ssyncset.done @!p1 $0x0;
	s9 =	smov.u32 s14  }
0x1d: {  	s11 =	sadd.s32 $0x1, s11;
	[sflag:s15] =	ssyncadd.s32 @!p1 $0xFFFFF000;
	s10 =	smov.u32 s16  }
.LBB1_1:
0x1e: {  	p1 =	sge.u32 s11, s5  }
0x1f: {  	s14 =	sand.u32 @!p1 $0x1FFFFFF, s9  }
0x20: {  	s15 =	smulhi.u32 @!p1 $0x147AE15, s14;
	_ =	sdelay $0x1  }
0x21: {  	s15 =	smul.u32 @!p1 $0xC8, s15  }
0x22: {  	s16 =	sxor.u32 @!p1 $0xFFFFFFFF, s11;
	s17 =	smul.u32 @!p1 $0xC80, s10  }
0x23: {  	s31 =	sadd.s32 $0xFFFFFFFF, s11;
	s16 =	sshll.u32 @!p1 s16, $0xC;
	s14 =	ssub.s32 @!p1 s14, s15  }
0x24: {  	s15 =	sand.u32 @!p1 $0x1000, s16;
	s16 =	sadd.s32 @!p1 s6, s17;
	s14 =	sshll.u32 @!p1 s14, $0x4  }
0x25: {  	s17 =	simm.s32 @!p1 $0x6400;
	s14 =	sadd.s32 @!p1 s14, s16;
	s16 =	simm.s32 @!p1 $0x20  }
0x26: {  	[tilespmem:s15], [sflag:$0x1] =	stream.strided.gather @!p1 [hbm4b:s14+s16], $0x1000, s17, s16, $0x38;
	[tilespmem:$0x4040] =	vst v63  }
0x27: {  	p1 =	sge.u32 s31, s5  }
.Ltmp2:
0x28: {  	_ = 	snop;
	(pc) =	sbr.rel @p1 .LBB1_5-.Ltmp2, $1  }
0x29: {  	_ =	sdelay $0x3  }
0x2a: {  	s14 =	simm.s32 $0x1  }
0x2b: {  	_ =	swait.ge [sflag:s4], $0x1000;
	s14 =	simm.s32 @!p0 $0x0  }
0x2c: {  	[sflag:s4] =	ssyncset.done $0x0;
	s15 =	sshll.u32 s14, $0xC  }
0x2d: {  	[sflag:s4] =	ssyncadd.s32 $0xFFFFF000;
	s18 =	sor.u32 $0x10, s15  }
0x2e: {  	s14 =	smul.u32 $0x4080, s14;
	v1 =	vld [tilespmem:s18+$0x0]  }
0x2f: {  	s30 =	sand.u32 $0x1, s11;
	v0 =	vld [tilespmem:s18+$0xFFFFFFF0]  }
0x30: {  	s15 =	smul.u32 $0x4080, s30;
	s14 =	sshrl.u32 s14, $0x2  }
0x31: {  	s16 =	sor.u32 $0x2000, s14  }
0x32: {  	s31 =	sshrl.u32 s15, $0x2;
	s15 =	sadd.s32 $0x0, s16  }
0x33: {  	s17 =	simm.s32 $0x4;
	s18 =	sadd.s32 $0x20, s18;
	s14 =	sor.u32 $0x2000, s31;
	[tilespmem:s15+$0x810 ss:$0x81] =	vst.msk $0xffff, v1  }
.LBB1_3:
0x34: {  	v1 =	vld [tilespmem:s18+$0x0];
	p1 =	sne.s32 s17, $0x1FC;
	[tilespmem:s15+$0x0 ss:$0x81] =	vst.msk $0xffff, v0;
	s15 =	smov.u32 s17;
	s17 =	sadd.s32 $0x4, s17  }
.Ltmp3:
0x35: {  	v0 =	vld [tilespmem:s18+$0xFFFFFFF0];
	(pc) =	sbr.rel @p1 .LBB1_3-.Ltmp3, $4  }
0x36: {  	_ = 	snop  }
0x37: {  	s15 =	sshra.s32 s15, $0x2  }
0x38: {  	s15 =	sadd.s32 s15, s16  }
0x39: {  	s18 =	sadd.s32 $0x20, s18;
	[tilespmem:s15+$0x810 ss:$0x81] =	vst.msk $0xffff, v1  }
.Ltmp4:
0x3a: {  	_ = 	snop;
	(pc) =	sbr.rel .LBB1_4-.Ltmp4, $1  }
0x3b: {  	_ =	sdelay $0x3  }
.LBB1_6:
0x3c: {  	_ =	sfence.sel $0x180000  }
0x3d: {  	s2 =	simm.s32 $0x1;
	[bflag:$0x0] =	sbarrier.arrive $0xFFFF  }
0x3e: {  	s31 =	simm.s32 $0x2;
	[sflag:s2] =	ssyncpa.u1 $0x1  }
0x3f: {  	[sflag:s31] =	ssyncpa.u1 $0x1  }
0x40: {  	p0 =	sne.s32 s0, $0x0;
	_ =	strace $0x9000004A  }
0x41: {  	s0 =	sadd.s32 @!p0 $0x100000, s1;
	[bflag:$0x2] =	sbarrier.arrive $0xFFFF  }
0x42: {  	[sflag:s0] =	ssyncadd.tile.s32 @!p0 $0x1;
	_ =	shalt  }
.Lfunc_end1:
_tile_overlayer_lowered:
.L_overlay_start_2:
0x43: {  	(tag) =	ssettag $0x2  }
0x44: {  	s0 =	rddreg [dreg:$0x0];
	s2 =	stileid.u32  }
0x45: {  	s1 =	rddreg [dreg:$0x1];
	p0 =	sne.s32 s2, $0x0  }
0x46: {  	s3 =	rddreg [dreg:$0x2];
	[bflag:$0x3] =	sbarrier.arrive $0xFFFF;
	s2 =	simm.s32 @!p0 $0x1C01  }
0x47: {  	[timem:s3], [sflag:s2] =	dma.local @!p0 [hbm:s0], s1  }
0x48: {  	s0 =	simm.s32 @!p0 $0x1  }
0x49: {  	_ =	swait.ge @!p0 [sflag:s0], s1  }
0x4a: {  	s1 =	ssub.s32 @!p0 $0x0, s1;
	[sflag:s0] =	ssyncset.done @!p0 $0x0  }
0x4b: {  	[sflag:s0] =	ssyncadd.s32 @!p0 s1  }
0x4c: {  	[bflag:$0x3] =	sbarrier.arrive $0xFFFF  }
0x4d: {  	_ =	shalt  }

</sc_bundles>
